<compile_context>
chip_gen: v7x
topology: tpu7x:2x2x1
jax: 0.10.2.dev20260603
libtpu: 0.0.44.dev20260713+nightly
codegen_flags: <defaults>
</compile_context>

<pallas_src>
import functools

import jax
import jax.numpy as jnp
from jax import lax
from jax.experimental import pallas as pl
from jax.experimental.pallas import tpu as pltpu
from jax.experimental.pallas import tpu_sc as plsc

NC, NS = 2, 16
NW = NC * NS
GATHER = 128
K = 4
CHUNK = K * GATHER


def _body(table, idx, out, idx_v, rows_v, gsem, ssem):
    wid = lax.axis_index("s") * NC + lax.axis_index("c")
    rows_total = out.shape[0]
    b_per_w = rows_total // NW
    chunks = b_per_w // CHUNK
    base_row = wid * b_per_w

    pltpu.sync_copy(idx.at[pl.ds(wid * chunks, chunks)], idx_v)

    def fire_gathers(c, b):
        for j in range(K):
            pltpu.async_copy(
                table.at[idx_v.at[c, j]],
                rows_v.at[b, pl.ds(j * GATHER, GATHER)],
                gsem.at[b],
            )

    def drain_gathers(b):
        pltpu.make_async_copy(
            out.at[pl.ds(0, CHUNK)], rows_v.at[b], gsem.at[b]
        ).wait()

    def fire_store(c, b):
        pltpu.async_copy(
            rows_v.at[b],
            out.at[pl.ds(base_row + c * CHUNK, CHUNK)],
            ssem.at[b],
        )

    def drain_store(b):
        pltpu.make_async_copy(
            rows_v.at[b], out.at[pl.ds(0, CHUNK)], ssem.at[b]
        ).wait()

    fire_gathers(0, 0)

    @pl.loop(0, chunks - 1)
    def _pipe(c):
        b = c % 2
        nb = 1 - b
        @pl.when(c >= 1)
        def _():
            drain_store(nb)
        fire_gathers(c + 1, nb)
        drain_gathers(b)
        fire_store(c, b)

    last = chunks - 1
    lb = last % 2
    drain_gathers(lb)
    fire_store(last, lb)
    drain_store(lb)
    drain_store(1 - lb)


def kernel(x, weight):
    B, H = x.shape
    V, D = weight.shape
    rows = B * H
    idx3d = x.reshape(rows // CHUNK, K, GATHER).astype(jnp.int32)
    chunks_per_w = rows // NW // CHUNK

    mesh = plsc.VectorSubcoreMesh(
        core_axis_name="c", subcore_axis_name="s",
        num_cores=NC, num_subcores=NS,
    )
    run = pl.kernel(
        _body,
        out_type=jax.ShapeDtypeStruct((rows, D), jnp.float32),
        mesh=mesh,
        scratch_types=[
            pltpu.VMEM((chunks_per_w, K, GATHER), jnp.int32),
            pltpu.VMEM((2, CHUNK, D), jnp.float32),
            pltpu.SemaphoreType.DMA((2,)),
            pltpu.SemaphoreType.DMA((2,)),
        ],
        compiler_params=pltpu.CompilerParams(use_tc_tiling_on_sc=False),
    )
    out = run(weight, idx3d)
    return out.reshape(B, H, D)

# --- scband reference (transcript-rebuilt; emitter-appended) ---
"""Pipeline reference for scband-vocab-parallel-embedding-64338610094549 (READ-ONLY COPY).

The authoritative reference and input builder live on the scoring server;
editing this copy changes nothing except your own understanding.
"""

import jax, jax.numpy as jnp
import numpy as np

NUM_EMBEDDINGS = 1000000
EMBEDDING_DIM = 64
BATCH = 16384
HIST = 50

def setup_inputs(seed: int = 0) -> dict:
    key = jax.random.key(seed)
    k1, k2 = jax.random.split(key)
    x = jax.random.randint(k1, (BATCH, HIST), 0, NUM_EMBEDDINGS, dtype=jnp.int64 if jax.config.jax_enable_x64 else jnp.int32)
    weight = jax.random.normal(k2, (NUM_EMBEDDINGS, EMBEDDING_DIM), dtype=jnp.float32) * 0.02
    return {"x": x, "weight": weight}

def reference(x, weight):
    # tp_size == 1 path: plain embedding lookup
    y = jnp.take(weight, x, axis=0)
    return y

if __name__ == "__main__":
    import jax
    _d = setup_inputs()
    print(jax.jit(kernel)(*tuple(_d.values())))

</pallas_src>

<mosaic_0001>
#map = affine_map<(d0, d1) -> (0, 0)>
#map1 = affine_map<(d0, d1) -> (0, 0, 0)>
module attributes {stable_mosaic.version = 14 : i64} {
  func.func @_body(%arg0: i32, %arg1: i32, %arg2: memref<1000000x64xf32, #tpu.memory_space<hbm>>, %arg3: memref<1600x4x128xi32, #tpu.memory_space<hbm>>, %arg4: memref<819200x64xf32, #tpu.memory_space<hbm>>, %arg5: memref<50x4x128xi32, #tpu.memory_space<vmem>>, %arg6: memref<2x512x64xf32, #tpu.memory_space<vmem>>, %arg7: memref<2x!tpu.dma_semaphore, #tpu.memory_space<semaphore_mem>>, %arg8: memref<2x!tpu.dma_semaphore, #tpu.memory_space<semaphore_mem>>) attributes {dimension_semantics = [#tpu.dimension_semantics<core_parallel>, #tpu.dimension_semantics<subcore_parallel>], iteration_bounds = array<i64: 2, 16>, scalar_prefetch = 0 : i64, scratch_operands = 4 : i64, tpu.core_type = #tpu.core_type<sc_vector_subcore>, window_params = [{transform_indices = #map}, {transform_indices = #map1}, {transform_indices = #map}]} {
    %mul3A = arith.constant 2 : i32
    %mul3A_0 = arith.muli %arg1, %mul3A : i32
    %add3A = arith.addi %mul3A_0, %arg0 : i32
    %mul3A_1 = arith.constant 25600 : i32
    %mul3A_2 = arith.muli %add3A, %mul3A_1 : i32
    %mul3A_3 = arith.constant 50 : i32
    %mul3A_4 = arith.muli %add3A, %mul3A_3 : i32
    "tpu.region"() ({
      %run_scoped3A = tpu.sem_alloc : memref<!tpu.dma_semaphore, #tpu.memory_space<semaphore_mem>>
      %dma_start3A_143 = arith.constant 0 : i32
      %dma_start3A_144 = arith.constant 0 : i32
      %dma_start3A_145 = tpu.memref_slice %arg3[%mul3A_4, %dma_start3A_143, %dma_start3A_144] : memref<1600x4x128xi32, #tpu.memory_space<hbm>> -> memref<50x4x128xi32, #tpu.memory_space<hbm>>
      %dma_start3A_146 = arith.constant 0 : i32
      %dma_start3A_147 = arith.constant 0 : i32
      %dma_start3A_148 = tpu.memref_slice %arg3[%mul3A_4, %dma_start3A_146, %dma_start3A_147] : memref<1600x4x128xi32, #tpu.memory_space<hbm>> -> memref<50x4x128xi32, #tpu.memory_space<hbm>>
      tpu.enqueue_dma source(%dma_start3A_148 : memref<50x4x128xi32, #tpu.memory_space<hbm>>) target(%arg5 : memref<50x4x128xi32, #tpu.memory_space<vmem>>) target_semaphore(%run_scoped3A : memref<!tpu.dma_semaphore, #tpu.memory_space<semaphore_mem>>)
      %dma_wait3A_149 = arith.constant 0 : i32
      %dma_wait3A_150 = arith.constant 0 : i32
      %dma_wait3A_151 = tpu.memref_slice %arg3[%mul3A_4, %dma_wait3A_149, %dma_wait3A_150] : memref<1600x4x128xi32, #tpu.memory_space<hbm>> -> memref<50x4x128xi32, #tpu.memory_space<hbm>>
      %dma_wait3A_152 = arith.constant 0 : i32
      %dma_wait3A_153 = arith.constant 0 : i32
      %dma_wait3A_154 = tpu.memref_slice %arg3[%mul3A_4, %dma_wait3A_152, %dma_wait3A_153] : memref<1600x4x128xi32, #tpu.memory_space<hbm>> -> memref<50x4x128xi32, #tpu.memory_space<hbm>>
      tpu.wait_dma2 semaphore(%run_scoped3A : memref<!tpu.dma_semaphore, #tpu.memory_space<semaphore_mem>>) src(%dma_wait3A_154 : memref<50x4x128xi32, #tpu.memory_space<hbm>>) dst(%arg5 : memref<50x4x128xi32, #tpu.memory_space<vmem>>)
      tpu.yield
    }) : () -> ()
    %dma_start3A = arith.constant 0 : i32
    %dma_start3A_5 = arith.constant 0 : i32
    %dma_start3A_6 = arith.constant 0 : i32
    %dma_start3A_7 = arith.constant 0 : i32
    %dma_start3A_8 = arith.constant 0 : i32
    %dma_start3A_9 = arith.constant 0 : i32
    %dma_start3A_10 = tpu.memref_slice %arg6[%dma_start3A_6, %dma_start3A_8, %dma_start3A_9] : memref<2x512x64xf32, #tpu.memory_space<vmem>> -> memref<1x128x64xf32, #tpu.memory_space<vmem>>
    %dma_start3A_11 = tpu.memref_squeeze %dma_start3A_10 : memref<1x128x64xf32, #tpu.memory_space<vmem>> -> memref<128x64xf32, #tpu.memory_space<vmem>>
    %dma_start3A_12 = arith.constant 0 : i32
    %dma_start3A_13 = tpu.memref_slice %arg5[%dma_start3A, %dma_start3A_5, %dma_start3A_12] : memref<50x4x128xi32, #tpu.memory_space<vmem>> -> memref<1x1x128xi32, #tpu.memory_space<vmem>>
    %dma_start3A_14 = tpu.memref_squeeze %dma_start3A_13 : memref<1x1x128xi32, #tpu.memory_space<vmem>> -> memref<128xi32, #tpu.memory_space<vmem>>
    %dma_start3A_15 = arith.constant 0 : i32
    %dma_start3A_16 = arith.constant 0 : i32
    %dma_start3A_17 = tpu.memref_slice %arg2[%dma_start3A_15, %dma_start3A_16] : memref<1000000x64xf32, #tpu.memory_space<hbm>> -> memref<1000000x64xf32, #tpu.memory_space<hbm>>
    %dma_start3A_18 = tpu.memref_slice %arg7[%dma_start3A_7] : memref<2x!tpu.dma_semaphore, #tpu.memory_space<semaphore_mem>> -> memref<1x!tpu.dma_semaphore, #tpu.memory_space<semaphore_mem>>
    %dma_start3A_19 = tpu.memref_squeeze %dma_start3A_18 : memref<1x!tpu.dma_semaphore, #tpu.memory_space<semaphore_mem>> -> memref<!tpu.dma_semaphore, #tpu.memory_space<semaphore_mem>>
    tpu.enqueue_indirect_dma source(%dma_start3A_17 : memref<1000000x64xf32, #tpu.memory_space<hbm>>) target(%dma_start3A_11 : memref<128x64xf32, #tpu.memory_space<vmem>>) offsets(%dma_start3A_14 : memref<128xi32, #tpu.memory_space<vmem>>) semaphore(%dma_start3A_19 : memref<!tpu.dma_semaphore, #tpu.memory_space<semaphore_mem>>)
    %dma_start3A_20 = arith.constant 0 : i32
    %dma_start3A_21 = arith.constant 1 : i32
    %dma_start3A_22 = arith.constant 0 : i32
    %dma_start3A_23 = arith.constant 0 : i32
    %dma_start3A_24 = arith.constant 128 : i32
    %dma_start3A_25 = arith.constant 0 : i32
    %dma_start3A_26 = tpu.memref_slice %arg6[%dma_start3A_22, %dma_start3A_24, %dma_start3A_25] : memref<2x512x64xf32, #tpu.memory_space<vmem>> -> memref<1x128x64xf32, #tpu.memory_space<vmem>>
    %dma_start3A_27 = tpu.memref_squeeze %dma_start3A_26 : memref<1x128x64xf32, #tpu.memory_space<vmem>> -> memref<128x64xf32, #tpu.memory_space<vmem>>
    %dma_start3A_28 = arith.constant 0 : i32
    %dma_start3A_29 = tpu.memref_slice %arg5[%dma_start3A_20, %dma_start3A_21, %dma_start3A_28] : memref<50x4x128xi32, #tpu.memory_space<vmem>> -> memref<1x1x128xi32, #tpu.memory_space<vmem>>
    %dma_start3A_30 = tpu.memref_squeeze %dma_start3A_29 : memref<1x1x128xi32, #tpu.memory_space<vmem>> -> memref<128xi32, #tpu.memory_space<vmem>>
    %dma_start3A_31 = arith.constant 0 : i32
    %dma_start3A_32 = arith.constant 0 : i32
    %dma_start3A_33 = tpu.memref_slice %arg2[%dma_start3A_31, %dma_start3A_32] : memref<1000000x64xf32, #tpu.memory_space<hbm>> -> memref<1000000x64xf32, #tpu.memory_space<hbm>>
    %dma_start3A_34 = tpu.memref_slice %arg7[%dma_start3A_23] : memref<2x!tpu.dma_semaphore, #tpu.memory_space<semaphore_mem>> -> memref<1x!tpu.dma_semaphore, #tpu.memory_space<semaphore_mem>>
    %dma_start3A_35 = tpu.memref_squeeze %dma_start3A_34 : memref<1x!tpu.dma_semaphore, #tpu.memory_space<semaphore_mem>> -> memref<!tpu.dma_semaphore, #tpu.memory_space<semaphore_mem>>
    tpu.enqueue_indirect_dma source(%dma_start3A_33 : memref<1000000x64xf32, #tpu.memory_space<hbm>>) target(%dma_start3A_27 : memref<128x64xf32, #tpu.memory_space<vmem>>) offsets(%dma_start3A_30 : memref<128xi32, #tpu.memory_space<vmem>>) semaphore(%dma_start3A_35 : memref<!tpu.dma_semaphore, #tpu.memory_space<semaphore_mem>>)
    %dma_start3A_36 = arith.constant 0 : i32
    %dma_start3A_37 = arith.constant 2 : i32
    %dma_start3A_38 = arith.constant 0 : i32
    %dma_start3A_39 = arith.constant 0 : i32
    %dma_start3A_40 = arith.constant 256 : i32
    %dma_start3A_41 = arith.constant 0 : i32
    %dma_start3A_42 = tpu.memref_slice %arg6[%dma_start3A_38, %dma_start3A_40, %dma_start3A_41] : memref<2x512x64xf32, #tpu.memory_space<vmem>> -> memref<1x128x64xf32, #tpu.memory_space<vmem>>
    %dma_start3A_43 = tpu.memref_squeeze %dma_start3A_42 : memref<1x128x64xf32, #tpu.memory_space<vmem>> -> memref<128x64xf32, #tpu.memory_space<vmem>>
    %dma_start3A_44 = arith.constant 0 : i32
    %dma_start3A_45 = tpu.memref_slice %arg5[%dma_start3A_36, %dma_start3A_37, %dma_start3A_44] : memref<50x4x128xi32, #tpu.memory_space<vmem>> -> memref<1x1x128xi32, #tpu.memory_space<vmem>>
    %dma_start3A_46 = tpu.memref_squeeze %dma_start3A_45 : memref<1x1x128xi32, #tpu.memory_space<vmem>> -> memref<128xi32, #tpu.memory_space<vmem>>
    %dma_start3A_47 = arith.constant 0 : i32
    %dma_start3A_48 = arith.constant 0 : i32
    %dma_start3A_49 = tpu.memref_slice %arg2[%dma_start3A_47, %dma_start3A_48] : memref<1000000x64xf32, #tpu.memory_space<hbm>> -> memref<1000000x64xf32, #tpu.memory_space<hbm>>
    %dma_start3A_50 = tpu.memref_slice %arg7[%dma_start3A_39] : memref<2x!tpu.dma_semaphore, #tpu.memory_space<semaphore_mem>> -> memref<1x!tpu.dma_semaphore, #tpu.memory_space<semaphore_mem>>
    %dma_start3A_51 = tpu.memref_squeeze %dma_start3A_50 : memref<1x!tpu.dma_semaphore, #tpu.memory_space<semaphore_mem>> -> memref<!tpu.dma_semaphore, #tpu.memory_space<semaphore_mem>>
    tpu.enqueue_indirect_dma source(%dma_start3A_49 : memref<1000000x64xf32, #tpu.memory_space<hbm>>) target(%dma_start3A_43 : memref<128x64xf32, #tpu.memory_space<vmem>>) offsets(%dma_start3A_46 : memref<128xi32, #tpu.memory_space<vmem>>) semaphore(%dma_start3A_51 : memref<!tpu.dma_semaphore, #tpu.memory_space<semaphore_mem>>)
    %dma_start3A_52 = arith.constant 0 : i32
    %dma_start3A_53 = arith.constant 3 : i32
    %dma_start3A_54 = arith.constant 0 : i32
    %dma_start3A_55 = arith.constant 0 : i32
    %dma_start3A_56 = arith.constant 384 : i32
    %dma_start3A_57 = arith.constant 0 : i32
    %dma_start3A_58 = tpu.memref_slice %arg6[%dma_start3A_54, %dma_start3A_56, %dma_start3A_57] : memref<2x512x64xf32, #tpu.memory_space<vmem>> -> memref<1x128x64xf32, #tpu.memory_space<vmem>>
    %dma_start3A_59 = tpu.memref_squeeze %dma_start3A_58 : memref<1x128x64xf32, #tpu.memory_space<vmem>> -> memref<128x64xf32, #tpu.memory_space<vmem>>
    %dma_start3A_60 = arith.constant 0 : i32
    %dma_start3A_61 = tpu.memref_slice %arg5[%dma_start3A_52, %dma_start3A_53, %dma_start3A_60] : memref<50x4x128xi32, #tpu.memory_space<vmem>> -> memref<1x1x128xi32, #tpu.memory_space<vmem>>
    %dma_start3A_62 = tpu.memref_squeeze %dma_start3A_61 : memref<1x1x128xi32, #tpu.memory_space<vmem>> -> memref<128xi32, #tpu.memory_space<vmem>>
    %dma_start3A_63 = arith.constant 0 : i32
    %dma_start3A_64 = arith.constant 0 : i32
    %dma_start3A_65 = tpu.memref_slice %arg2[%dma_start3A_63, %dma_start3A_64] : memref<1000000x64xf32, #tpu.memory_space<hbm>> -> memref<1000000x64xf32, #tpu.memory_space<hbm>>
    %dma_start3A_66 = tpu.memref_slice %arg7[%dma_start3A_55] : memref<2x!tpu.dma_semaphore, #tpu.memory_space<semaphore_mem>> -> memref<1x!tpu.dma_semaphore, #tpu.memory_space<semaphore_mem>>
    %dma_start3A_67 = tpu.memref_squeeze %dma_start3A_66 : memref<1x!tpu.dma_semaphore, #tpu.memory_space<semaphore_mem>> -> memref<!tpu.dma_semaphore, #tpu.memory_space<semaphore_mem>>
    tpu.enqueue_indirect_dma source(%dma_start3A_65 : memref<1000000x64xf32, #tpu.memory_space<hbm>>) target(%dma_start3A_59 : memref<128x64xf32, #tpu.memory_space<vmem>>) offsets(%dma_start3A_62 : memref<128xi32, #tpu.memory_space<vmem>>) semaphore(%dma_start3A_67 : memref<!tpu.dma_semaphore, #tpu.memory_space<semaphore_mem>>)
    %scan3A = arith.constant 0 : i32
    %scan3A_68 = arith.constant 49 : i32
    %scan3A_69 = arith.addi %scan3A, %scan3A_68 : i32
    %scan3A_70 = arith.constant 1 : i32
    scf.for %scan3A_143 = %scan3A to %scan3A_69 step %scan3A_70  : i32 {
      %mul3A_144 = arith.constant 1 : i32
      %mul3A_145 = arith.muli %scan3A_143, %mul3A_144 : i32
      %add3A_146 = arith.constant 0 : i32
      %add3A_147 = arith.addi %add3A_146, %mul3A_145 : i32
      %jit3A = arith.constant 2 : i32
      %eq3A = arith.constant 0 : i32
      %eq3A_148 = arith.cmpi eq, %jit3A, %eq3A : i32
      %jit3A_149 = arith.constant 1 : i32
      %select_n3A = arith.select %eq3A_148, %jit3A_149, %jit3A : i32
      %rem3A = arith.remsi %add3A_147, %select_n3A : i32
      %ne3A = arith.constant 0 : i32
      %ne3A_150 = arith.cmpi ne, %rem3A, %ne3A : i32
      %lt3A = arith.constant 0 : i32
      %lt3A_151 = arith.cmpi slt, %rem3A, %lt3A : i32
      %lt3A_152 = arith.constant 0 : i32
      %lt3A_153 = arith.cmpi slt, %select_n3A, %lt3A_152 : i32
      %ne3A_154 = arith.xori %lt3A_151, %lt3A_153 : i1
      %and3A = arith.andi %ne3A_154, %ne3A_150 : i1
      %add3A_155 = arith.addi %rem3A, %select_n3A : i32
      %select_n3A_156 = arith.select %and3A, %add3A_155, %rem3A : i32
      %sub3A = arith.constant 1 : i32
      %sub3A_157 = arith.subi %sub3A, %select_n3A_156 : i32
      %ge3A = arith.constant 1 : i32
      %ge3A_158 = arith.cmpi sge, %add3A_147, %ge3A : i32
      %convert_element_type3A = arith.extui %ge3A_158 : i1 to i32
      %cond3A = arith.constant 0 : i32
      %cond3A_159 = arith.cmpi ne, %convert_element_type3A, %cond3A : i32
      scf.if %cond3A_159 {
        %dma_wait3A_247 = arith.constant 0 : i32
        %dma_wait3A_248 = arith.constant 0 : i32
        %dma_wait3A_249 = tpu.memref_slice %arg6[%sub3A_157, %dma_wait3A_247, %dma_wait3A_248] : memref<2x512x64xf32, #tpu.memory_space<vmem>> -> memref<1x512x64xf32, #tpu.memory_space<vmem>>
        %dma_wait3A_250 = tpu.memref_squeeze %dma_wait3A_249 : memref<1x512x64xf32, #tpu.memory_space<vmem>> -> memref<512x64xf32, #tpu.memory_space<vmem>>
        %dma_wait3A_251 = arith.constant 0 : i32
        %dma_wait3A_252 = arith.constant 0 : i32
        %dma_wait3A_253 = tpu.memref_slice %arg4[%dma_wait3A_251, %dma_wait3A_252] : memref<819200x64xf32, #tpu.memory_space<hbm>> -> memref<512x64xf32, #tpu.memory_space<hbm>>
        %dma_wait3A_254 = tpu.memref_slice %arg8[%sub3A_157] : memref<2x!tpu.dma_semaphore, #tpu.memory_space<semaphore_mem>> -> memref<1x!tpu.dma_semaphore, #tpu.memory_space<semaphore_mem>>
        %dma_wait3A_255 = tpu.memref_squeeze %dma_wait3A_254 : memref<1x!tpu.dma_semaphore, #tpu.memory_space<semaphore_mem>> -> memref<!tpu.dma_semaphore, #tpu.memory_space<semaphore_mem>>
        %dma_wait3A_256 = arith.constant 0 : i32
        %dma_wait3A_257 = arith.constant 0 : i32
        %dma_wait3A_258 = tpu.memref_slice %arg4[%dma_wait3A_256, %dma_wait3A_257] : memref<819200x64xf32, #tpu.memory_space<hbm>> -> memref<512x64xf32, #tpu.memory_space<hbm>>
        %dma_wait3A_259 = arith.constant 0 : i32
        %dma_wait3A_260 = arith.constant 0 : i32
        %dma_wait3A_261 = tpu.memref_slice %arg6[%sub3A_157, %dma_wait3A_259, %dma_wait3A_260] : memref<2x512x64xf32, #tpu.memory_space<vmem>> -> memref<1x512x64xf32, #tpu.memory_space<vmem>>
        %dma_wait3A_262 = tpu.memref_squeeze %dma_wait3A_261 : memref<1x512x64xf32, #tpu.memory_space<vmem>> -> memref<512x64xf32, #tpu.memory_space<vmem>>
        tpu.wait_dma2 semaphore(%dma_wait3A_255 : memref<!tpu.dma_semaphore, #tpu.memory_space<semaphore_mem>>) src(%dma_wait3A_262 : memref<512x64xf32, #tpu.memory_space<vmem>>) dst(%dma_wait3A_258 : memref<512x64xf32, #tpu.memory_space<hbm>>)
      } else {
      }
      %add3A_160 = arith.constant 1 : i32
      %add3A_161 = arith.addi %add3A_147, %add3A_160 : i32
      %dma_start3A_162 = arith.constant 0 : i32
      %dma_start3A_163 = arith.constant 0 : i32
      %dma_start3A_164 = arith.constant 0 : i32
      %dma_start3A_165 = tpu.memref_slice %arg6[%sub3A_157, %dma_start3A_163, %dma_start3A_164] : memref<2x512x64xf32, #tpu.memory_space<vmem>> -> memref<1x128x64xf32, #tpu.memory_space<vmem>>
      %dma_start3A_166 = tpu.memref_squeeze %dma_start3A_165 : memref<1x128x64xf32, #tpu.memory_space<vmem>> -> memref<128x64xf32, #tpu.memory_space<vmem>>
      %dma_start3A_167 = arith.constant 0 : i32
      %dma_start3A_168 = tpu.memref_slice %arg5[%add3A_161, %dma_start3A_162, %dma_start3A_167] : memref<50x4x128xi32, #tpu.memory_space<vmem>> -> memref<1x1x128xi32, #tpu.memory_space<vmem>>
      %dma_start3A_169 = tpu.memref_squeeze %dma_start3A_168 : memref<1x1x128xi32, #tpu.memory_space<vmem>> -> memref<128xi32, #tpu.memory_space<vmem>>
      %dma_start3A_170 = arith.constant 0 : i32
      %dma_start3A_171 = arith.constant 0 : i32
      %dma_start3A_172 = tpu.memref_slice %arg2[%dma_start3A_170, %dma_start3A_171] : memref<1000000x64xf32, #tpu.memory_space<hbm>> -> memref<1000000x64xf32, #tpu.memory_space<hbm>>
      %dma_start3A_173 = tpu.memref_slice %arg7[%sub3A_157] : memref<2x!tpu.dma_semaphore, #tpu.memory_space<semaphore_mem>> -> memref<1x!tpu.dma_semaphore, #tpu.memory_space<semaphore_mem>>
      %dma_start3A_174 = tpu.memref_squeeze %dma_start3A_173 : memref<1x!tpu.dma_semaphore, #tpu.memory_space<semaphore_mem>> -> memref<!tpu.dma_semaphore, #tpu.memory_space<semaphore_mem>>
      tpu.enqueue_indirect_dma source(%dma_start3A_172 : memref<1000000x64xf32, #tpu.memory_space<hbm>>) target(%dma_start3A_166 : memref<128x64xf32, #tpu.memory_space<vmem>>) offsets(%dma_start3A_169 : memref<128xi32, #tpu.memory_space<vmem>>) semaphore(%dma_start3A_174 : memref<!tpu.dma_semaphore, #tpu.memory_space<semaphore_mem>>)
      %dma_start3A_175 = arith.constant 1 : i32
      %dma_start3A_176 = arith.constant 128 : i32
      %dma_start3A_177 = arith.constant 0 : i32
      %dma_start3A_178 = tpu.memref_slice %arg6[%sub3A_157, %dma_start3A_176, %dma_start3A_177] : memref<2x512x64xf32, #tpu.memory_space<vmem>> -> memref<1x128x64xf32, #tpu.memory_space<vmem>>
      %dma_start3A_179 = tpu.memref_squeeze %dma_start3A_178 : memref<1x128x64xf32, #tpu.memory_space<vmem>> -> memref<128x64xf32, #tpu.memory_space<vmem>>
      %dma_start3A_180 = arith.constant 0 : i32
      %dma_start3A_181 = tpu.memref_slice %arg5[%add3A_161, %dma_start3A_175, %dma_start3A_180] : memref<50x4x128xi32, #tpu.memory_space<vmem>> -> memref<1x1x128xi32, #tpu.memory_space<vmem>>
      %dma_start3A_182 = tpu.memref_squeeze %dma_start3A_181 : memref<1x1x128xi32, #tpu.memory_space<vmem>> -> memref<128xi32, #tpu.memory_space<vmem>>
      %dma_start3A_183 = arith.constant 0 : i32
      %dma_start3A_184 = arith.constant 0 : i32
      %dma_start3A_185 = tpu.memref_slice %arg2[%dma_start3A_183, %dma_start3A_184] : memref<1000000x64xf32, #tpu.memory_space<hbm>> -> memref<1000000x64xf32, #tpu.memory_space<hbm>>
      %dma_start3A_186 = tpu.memref_slice %arg7[%sub3A_157] : memref<2x!tpu.dma_semaphore, #tpu.memory_space<semaphore_mem>> -> memref<1x!tpu.dma_semaphore, #tpu.memory_space<semaphore_mem>>
      %dma_start3A_187 = tpu.memref_squeeze %dma_start3A_186 : memref<1x!tpu.dma_semaphore, #tpu.memory_space<semaphore_mem>> -> memref<!tpu.dma_semaphore, #tpu.memory_space<semaphore_mem>>
      tpu.enqueue_indirect_dma source(%dma_start3A_185 : memref<1000000x64xf32, #tpu.memory_space<hbm>>) target(%dma_start3A_179 : memref<128x64xf32, #tpu.memory_space<vmem>>) offsets(%dma_start3A_182 : memref<128xi32, #tpu.memory_space<vmem>>) semaphore(%dma_start3A_187 : memref<!tpu.dma_semaphore, #tpu.memory_space<semaphore_mem>>)
      %dma_start3A_188 = arith.constant 2 : i32
      %dma_start3A_189 = arith.constant 256 : i32
      %dma_start3A_190 = arith.constant 0 : i32
      %dma_start3A_191 = tpu.memref_slice %arg6[%sub3A_157, %dma_start3A_189, %dma_start3A_190] : memref<2x512x64xf32, #tpu.memory_space<vmem>> -> memref<1x128x64xf32, #tpu.memory_space<vmem>>
      %dma_start3A_192 = tpu.memref_squeeze %dma_start3A_191 : memref<1x128x64xf32, #tpu.memory_space<vmem>> -> memref<128x64xf32, #tpu.memory_space<vmem>>
      %dma_start3A_193 = arith.constant 0 : i32
      %dma_start3A_194 = tpu.memref_slice %arg5[%add3A_161, %dma_start3A_188, %dma_start3A_193] : memref<50x4x128xi32, #tpu.memory_space<vmem>> -> memref<1x1x128xi32, #tpu.memory_space<vmem>>
      %dma_start3A_195 = tpu.memref_squeeze %dma_start3A_194 : memref<1x1x128xi32, #tpu.memory_space<vmem>> -> memref<128xi32, #tpu.memory_space<vmem>>
      %dma_start3A_196 = arith.constant 0 : i32
      %dma_start3A_197 = arith.constant 0 : i32
      %dma_start3A_198 = tpu.memref_slice %arg2[%dma_start3A_196, %dma_start3A_197] : memref<1000000x64xf32, #tpu.memory_space<hbm>> -> memref<1000000x64xf32, #tpu.memory_space<hbm>>
      %dma_start3A_199 = tpu.memref_slice %arg7[%sub3A_157] : memref<2x!tpu.dma_semaphore, #tpu.memory_space<semaphore_mem>> -> memref<1x!tpu.dma_semaphore, #tpu.memory_space<semaphore_mem>>
      %dma_start3A_200 = tpu.memref_squeeze %dma_start3A_199 : memref<1x!tpu.dma_semaphore, #tpu.memory_space<semaphore_mem>> -> memref<!tpu.dma_semaphore, #tpu.memory_space<semaphore_mem>>
      tpu.enqueue_indirect_dma source(%dma_start3A_198 : memref<1000000x64xf32, #tpu.memory_space<hbm>>) target(%dma_start3A_192 : memref<128x64xf32, #tpu.memory_space<vmem>>) offsets(%dma_start3A_195 : memref<128xi32, #tpu.memory_space<vmem>>) semaphore(%dma_start3A_200 : memref<!tpu.dma_semaphore, #tpu.memory_space<semaphore_mem>>)
      %dma_start3A_201 = arith.constant 3 : i32
      %dma_start3A_202 = arith.constant 384 : i32
      %dma_start3A_203 = arith.constant 0 : i32
      %dma_start3A_204 = tpu.memref_slice %arg6[%sub3A_157, %dma_start3A_202, %dma_start3A_203] : memref<2x512x64xf32, #tpu.memory_space<vmem>> -> memref<1x128x64xf32, #tpu.memory_space<vmem>>
      %dma_start3A_205 = tpu.memref_squeeze %dma_start3A_204 : memref<1x128x64xf32, #tpu.memory_space<vmem>> -> memref<128x64xf32, #tpu.memory_space<vmem>>
      %dma_start3A_206 = arith.constant 0 : i32
      %dma_start3A_207 = tpu.memref_slice %arg5[%add3A_161, %dma_start3A_201, %dma_start3A_206] : memref<50x4x128xi32, #tpu.memory_space<vmem>> -> memref<1x1x128xi32, #tpu.memory_space<vmem>>
      %dma_start3A_208 = tpu.memref_squeeze %dma_start3A_207 : memref<1x1x128xi32, #tpu.memory_space<vmem>> -> memref<128xi32, #tpu.memory_space<vmem>>
      %dma_start3A_209 = arith.constant 0 : i32
      %dma_start3A_210 = arith.constant 0 : i32
      %dma_start3A_211 = tpu.memref_slice %arg2[%dma_start3A_209, %dma_start3A_210] : memref<1000000x64xf32, #tpu.memory_space<hbm>> -> memref<1000000x64xf32, #tpu.memory_space<hbm>>
      %dma_start3A_212 = tpu.memref_slice %arg7[%sub3A_157] : memref<2x!tpu.dma_semaphore, #tpu.memory_space<semaphore_mem>> -> memref<1x!tpu.dma_semaphore, #tpu.memory_space<semaphore_mem>>
      %dma_start3A_213 = tpu.memref_squeeze %dma_start3A_212 : memref<1x!tpu.dma_semaphore, #tpu.memory_space<semaphore_mem>> -> memref<!tpu.dma_semaphore, #tpu.memory_space<semaphore_mem>>
      tpu.enqueue_indirect_dma source(%dma_start3A_211 : memref<1000000x64xf32, #tpu.memory_space<hbm>>) target(%dma_start3A_205 : memref<128x64xf32, #tpu.memory_space<vmem>>) offsets(%dma_start3A_208 : memref<128xi32, #tpu.memory_space<vmem>>) semaphore(%dma_start3A_213 : memref<!tpu.dma_semaphore, #tpu.memory_space<semaphore_mem>>)
      %dma_wait3A_214 = arith.constant 0 : i32
      %dma_wait3A_215 = arith.constant 0 : i32
      %dma_wait3A_216 = tpu.memref_slice %arg6[%select_n3A_156, %dma_wait3A_214, %dma_wait3A_215] : memref<2x512x64xf32, #tpu.memory_space<vmem>> -> memref<1x512x64xf32, #tpu.memory_space<vmem>>
      %dma_wait3A_217 = tpu.memref_squeeze %dma_wait3A_216 : memref<1x512x64xf32, #tpu.memory_space<vmem>> -> memref<512x64xf32, #tpu.memory_space<vmem>>
      %dma_wait3A_218 = arith.constant 0 : i32
      %dma_wait3A_219 = arith.constant 0 : i32
      %dma_wait3A_220 = tpu.memref_slice %arg4[%dma_wait3A_218, %dma_wait3A_219] : memref<819200x64xf32, #tpu.memory_space<hbm>> -> memref<512x64xf32, #tpu.memory_space<hbm>>
      %dma_wait3A_221 = tpu.memref_slice %arg7[%select_n3A_156] : memref<2x!tpu.dma_semaphore, #tpu.memory_space<semaphore_mem>> -> memref<1x!tpu.dma_semaphore, #tpu.memory_space<semaphore_mem>>
      %dma_wait3A_222 = tpu.memref_squeeze %dma_wait3A_221 : memref<1x!tpu.dma_semaphore, #tpu.memory_space<semaphore_mem>> -> memref<!tpu.dma_semaphore, #tpu.memory_space<semaphore_mem>>
      %dma_wait3A_223 = arith.constant 0 : i32
      %dma_wait3A_224 = arith.constant 0 : i32
      %dma_wait3A_225 = tpu.memref_slice %arg6[%select_n3A_156, %dma_wait3A_223, %dma_wait3A_224] : memref<2x512x64xf32, #tpu.memory_space<vmem>> -> memref<1x512x64xf32, #tpu.memory_space<vmem>>
      %dma_wait3A_226 = tpu.memref_squeeze %dma_wait3A_225 : memref<1x512x64xf32, #tpu.memory_space<vmem>> -> memref<512x64xf32, #tpu.memory_space<vmem>>
      %dma_wait3A_227 = arith.constant 0 : i32
      %dma_wait3A_228 = arith.constant 0 : i32
      %dma_wait3A_229 = tpu.memref_slice %arg4[%dma_wait3A_227, %dma_wait3A_228] : memref<819200x64xf32, #tpu.memory_space<hbm>> -> memref<512x64xf32, #tpu.memory_space<hbm>>
      tpu.wait_dma2 semaphore(%dma_wait3A_222 : memref<!tpu.dma_semaphore, #tpu.memory_space<semaphore_mem>>) src(%dma_wait3A_229 : memref<512x64xf32, #tpu.memory_space<hbm>>) dst(%dma_wait3A_226 : memref<512x64xf32, #tpu.memory_space<vmem>>)
      %mul3A_230 = arith.constant 512 : i32
      %mul3A_231 = arith.muli %add3A_147, %mul3A_230 : i32
      %add3A_232 = arith.addi %mul3A_2, %mul3A_231 : i32
      %dma_start3A_233 = arith.constant 0 : i32
      %dma_start3A_234 = arith.constant 0 : i32
      %dma_start3A_235 = tpu.memref_slice %arg6[%select_n3A_156, %dma_start3A_233, %dma_start3A_234] : memref<2x512x64xf32, #tpu.memory_space<vmem>> -> memref<1x512x64xf32, #tpu.memory_space<vmem>>
      %dma_start3A_236 = tpu.memref_squeeze %dma_start3A_235 : memref<1x512x64xf32, #tpu.memory_space<vmem>> -> memref<512x64xf32, #tpu.memory_space<vmem>>
      %dma_start3A_237 = arith.constant 0 : i32
      %dma_start3A_238 = tpu.memref_slice %arg4[%add3A_232, %dma_start3A_237] : memref<819200x64xf32, #tpu.memory_space<hbm>> -> memref<512x64xf32, #tpu.memory_space<hbm>>
      %dma_start3A_239 = tpu.memref_slice %arg8[%select_n3A_156] : memref<2x!tpu.dma_semaphore, #tpu.memory_space<semaphore_mem>> -> memref<1x!tpu.dma_semaphore, #tpu.memory_space<semaphore_mem>>
      %dma_start3A_240 = tpu.memref_squeeze %dma_start3A_239 : memref<1x!tpu.dma_semaphore, #tpu.memory_space<semaphore_mem>> -> memref<!tpu.dma_semaphore, #tpu.memory_space<semaphore_mem>>
      %dma_start3A_241 = arith.constant 0 : i32
      %dma_start3A_242 = tpu.memref_slice %arg4[%add3A_232, %dma_start3A_241] : memref<819200x64xf32, #tpu.memory_space<hbm>> -> memref<512x64xf32, #tpu.memory_space<hbm>>
      %dma_start3A_243 = arith.constant 0 : i32
      %dma_start3A_244 = arith.constant 0 : i32
      %dma_start3A_245 = tpu.memref_slice %arg6[%select_n3A_156, %dma_start3A_243, %dma_start3A_244] : memref<2x512x64xf32, #tpu.memory_space<vmem>> -> memref<1x512x64xf32, #tpu.memory_space<vmem>>
      %dma_start3A_246 = tpu.memref_squeeze %dma_start3A_245 : memref<1x512x64xf32, #tpu.memory_space<vmem>> -> memref<512x64xf32, #tpu.memory_space<vmem>>
      tpu.enqueue_dma source(%dma_start3A_246 : memref<512x64xf32, #tpu.memory_space<vmem>>) target(%dma_start3A_242 : memref<512x64xf32, #tpu.memory_space<hbm>>) target_semaphore(%dma_start3A_240 : memref<!tpu.dma_semaphore, #tpu.memory_space<semaphore_mem>>)
    }
    %scan3A_71 = arith.constant 49 : i32
    %dma_wait3A = arith.constant 1 : i32
    %dma_wait3A_72 = arith.constant 1 : i32
    %dma_wait3A_73 = arith.constant 0 : i32
    %dma_wait3A_74 = arith.constant 0 : i32
    %dma_wait3A_75 = tpu.memref_slice %arg6[%dma_wait3A, %dma_wait3A_73, %dma_wait3A_74] : memref<2x512x64xf32, #tpu.memory_space<vmem>> -> memref<1x512x64xf32, #tpu.memory_space<vmem>>
    %dma_wait3A_76 = tpu.memref_squeeze %dma_wait3A_75 : memref<1x512x64xf32, #tpu.memory_space<vmem>> -> memref<512x64xf32, #tpu.memory_space<vmem>>
    %dma_wait3A_77 = arith.constant 0 : i32
    %dma_wait3A_78 = arith.constant 0 : i32
    %dma_wait3A_79 = tpu.memref_slice %arg4[%dma_wait3A_77, %dma_wait3A_78] : memref<819200x64xf32, #tpu.memory_space<hbm>> -> memref<512x64xf32, #tpu.memory_space<hbm>>
    %dma_wait3A_80 = tpu.memref_slice %arg7[%dma_wait3A_72] : memref<2x!tpu.dma_semaphore, #tpu.memory_space<semaphore_mem>> -> memref<1x!tpu.dma_semaphore, #tpu.memory_space<semaphore_mem>>
    %dma_wait3A_81 = tpu.memref_squeeze %dma_wait3A_80 : memref<1x!tpu.dma_semaphore, #tpu.memory_space<semaphore_mem>> -> memref<!tpu.dma_semaphore, #tpu.memory_space<semaphore_mem>>
    %dma_wait3A_82 = arith.constant 0 : i32
    %dma_wait3A_83 = arith.constant 0 : i32
    %dma_wait3A_84 = tpu.memref_slice %arg6[%dma_wait3A, %dma_wait3A_82, %dma_wait3A_83] : memref<2x512x64xf32, #tpu.memory_space<vmem>> -> memref<1x512x64xf32, #tpu.memory_space<vmem>>
    %dma_wait3A_85 = tpu.memref_squeeze %dma_wait3A_84 : memref<1x512x64xf32, #tpu.memory_space<vmem>> -> memref<512x64xf32, #tpu.memory_space<vmem>>
    %dma_wait3A_86 = arith.constant 0 : i32
    %dma_wait3A_87 = arith.constant 0 : i32
    %dma_wait3A_88 = tpu.memref_slice %arg4[%dma_wait3A_86, %dma_wait3A_87] : memref<819200x64xf32, #tpu.memory_space<hbm>> -> memref<512x64xf32, #tpu.memory_space<hbm>>
    tpu.wait_dma2 semaphore(%dma_wait3A_81 : memref<!tpu.dma_semaphore, #tpu.memory_space<semaphore_mem>>) src(%dma_wait3A_88 : memref<512x64xf32, #tpu.memory_space<hbm>>) dst(%dma_wait3A_85 : memref<512x64xf32, #tpu.memory_space<vmem>>)
    %add3A_89 = arith.constant 25088 : i32
    %add3A_90 = arith.addi %mul3A_2, %add3A_89 : i32
    %dma_start3A_91 = arith.constant 1 : i32
    %dma_start3A_92 = arith.constant 1 : i32
    %dma_start3A_93 = arith.constant 0 : i32
    %dma_start3A_94 = arith.constant 0 : i32
    %dma_start3A_95 = tpu.memref_slice %arg6[%dma_start3A_91, %dma_start3A_93, %dma_start3A_94] : memref<2x512x64xf32, #tpu.memory_space<vmem>> -> memref<1x512x64xf32, #tpu.memory_space<vmem>>
    %dma_start3A_96 = tpu.memref_squeeze %dma_start3A_95 : memref<1x512x64xf32, #tpu.memory_space<vmem>> -> memref<512x64xf32, #tpu.memory_space<vmem>>
    %dma_start3A_97 = arith.constant 0 : i32
    %dma_start3A_98 = tpu.memref_slice %arg4[%add3A_90, %dma_start3A_97] : memref<819200x64xf32, #tpu.memory_space<hbm>> -> memref<512x64xf32, #tpu.memory_space<hbm>>
    %dma_start3A_99 = tpu.memref_slice %arg8[%dma_start3A_92] : memref<2x!tpu.dma_semaphore, #tpu.memory_space<semaphore_mem>> -> memref<1x!tpu.dma_semaphore, #tpu.memory_space<semaphore_mem>>
    %dma_start3A_100 = tpu.memref_squeeze %dma_start3A_99 : memref<1x!tpu.dma_semaphore, #tpu.memory_space<semaphore_mem>> -> memref<!tpu.dma_semaphore, #tpu.memory_space<semaphore_mem>>
    %dma_start3A_101 = arith.constant 0 : i32
    %dma_start3A_102 = tpu.memref_slice %arg4[%add3A_90, %dma_start3A_101] : memref<819200x64xf32, #tpu.memory_space<hbm>> -> memref<512x64xf32, #tpu.memory_space<hbm>>
    %dma_start3A_103 = arith.constant 0 : i32
    %dma_start3A_104 = arith.constant 0 : i32
    %dma_start3A_105 = tpu.memref_slice %arg6[%dma_start3A_91, %dma_start3A_103, %dma_start3A_104] : memref<2x512x64xf32, #tpu.memory_space<vmem>> -> memref<1x512x64xf32, #tpu.memory_space<vmem>>
    %dma_start3A_106 = tpu.memref_squeeze %dma_start3A_105 : memref<1x512x64xf32, #tpu.memory_space<vmem>> -> memref<512x64xf32, #tpu.memory_space<vmem>>
    tpu.enqueue_dma source(%dma_start3A_106 : memref<512x64xf32, #tpu.memory_space<vmem>>) target(%dma_start3A_102 : memref<512x64xf32, #tpu.memory_space<hbm>>) target_semaphore(%dma_start3A_100 : memref<!tpu.dma_semaphore, #tpu.memory_space<semaphore_mem>>)
    %dma_wait3A_107 = arith.constant 1 : i32
    %dma_wait3A_108 = arith.constant 1 : i32
    %dma_wait3A_109 = arith.constant 0 : i32
    %dma_wait3A_110 = arith.constant 0 : i32
    %dma_wait3A_111 = tpu.memref_slice %arg6[%dma_wait3A_107, %dma_wait3A_109, %dma_wait3A_110] : memref<2x512x64xf32, #tpu.memory_space<vmem>> -> memref<1x512x64xf32, #tpu.memory_space<vmem>>
    %dma_wait3A_112 = tpu.memref_squeeze %dma_wait3A_111 : memref<1x512x64xf32, #tpu.memory_space<vmem>> -> memref<512x64xf32, #tpu.memory_space<vmem>>
    %dma_wait3A_113 = arith.constant 0 : i32
    %dma_wait3A_114 = arith.constant 0 : i32
    %dma_wait3A_115 = tpu.memref_slice %arg4[%dma_wait3A_113, %dma_wait3A_114] : memref<819200x64xf32, #tpu.memory_space<hbm>> -> memref<512x64xf32, #tpu.memory_space<hbm>>
    %dma_wait3A_116 = tpu.memref_slice %arg8[%dma_wait3A_108] : memref<2x!tpu.dma_semaphore, #tpu.memory_space<semaphore_mem>> -> memref<1x!tpu.dma_semaphore, #tpu.memory_space<semaphore_mem>>
    %dma_wait3A_117 = tpu.memref_squeeze %dma_wait3A_116 : memref<1x!tpu.dma_semaphore, #tpu.memory_space<semaphore_mem>> -> memref<!tpu.dma_semaphore, #tpu.memory_space<semaphore_mem>>
    %dma_wait3A_118 = arith.constant 0 : i32
    %dma_wait3A_119 = arith.constant 0 : i32
    %dma_wait3A_120 = tpu.memref_slice %arg4[%dma_wait3A_118, %dma_wait3A_119] : memref<819200x64xf32, #tpu.memory_space<hbm>> -> memref<512x64xf32, #tpu.memory_space<hbm>>
    %dma_wait3A_121 = arith.constant 0 : i32
    %dma_wait3A_122 = arith.constant 0 : i32
    %dma_wait3A_123 = tpu.memref_slice %arg6[%dma_wait3A_107, %dma_wait3A_121, %dma_wait3A_122] : memref<2x512x64xf32, #tpu.memory_space<vmem>> -> memref<1x512x64xf32, #tpu.memory_space<vmem>>
    %dma_wait3A_124 = tpu.memref_squeeze %dma_wait3A_123 : memref<1x512x64xf32, #tpu.memory_space<vmem>> -> memref<512x64xf32, #tpu.memory_space<vmem>>
    tpu.wait_dma2 semaphore(%dma_wait3A_117 : memref<!tpu.dma_semaphore, #tpu.memory_space<semaphore_mem>>) src(%dma_wait3A_124 : memref<512x64xf32, #tpu.memory_space<vmem>>) dst(%dma_wait3A_120 : memref<512x64xf32, #tpu.memory_space<hbm>>)
    %dma_wait3A_125 = arith.constant 0 : i32
    %dma_wait3A_126 = arith.constant 0 : i32
    %dma_wait3A_127 = arith.constant 0 : i32
    %dma_wait3A_128 = arith.constant 0 : i32
    %dma_wait3A_129 = tpu.memref_slice %arg6[%dma_wait3A_125, %dma_wait3A_127, %dma_wait3A_128] : memref<2x512x64xf32, #tpu.memory_space<vmem>> -> memref<1x512x64xf32, #tpu.memory_space<vmem>>
    %dma_wait3A_130 = tpu.memref_squeeze %dma_wait3A_129 : memref<1x512x64xf32, #tpu.memory_space<vmem>> -> memref<512x64xf32, #tpu.memory_space<vmem>>
    %dma_wait3A_131 = arith.constant 0 : i32
    %dma_wait3A_132 = arith.constant 0 : i32
    %dma_wait3A_133 = tpu.memref_slice %arg4[%dma_wait3A_131, %dma_wait3A_132] : memref<819200x64xf32, #tpu.memory_space<hbm>> -> memref<512x64xf32, #tpu.memory_space<hbm>>
    %dma_wait3A_134 = tpu.memref_slice %arg8[%dma_wait3A_126] : memref<2x!tpu.dma_semaphore, #tpu.memory_space<semaphore_mem>> -> memref<1x!tpu.dma_semaphore, #tpu.memory_space<semaphore_mem>>
    %dma_wait3A_135 = tpu.memref_squeeze %dma_wait3A_134 : memref<1x!tpu.dma_semaphore, #tpu.memory_space<semaphore_mem>> -> memref<!tpu.dma_semaphore, #tpu.memory_space<semaphore_mem>>
    %dma_wait3A_136 = arith.constant 0 : i32
    %dma_wait3A_137 = arith.constant 0 : i32
    %dma_wait3A_138 = tpu.memref_slice %arg4[%dma_wait3A_136, %dma_wait3A_137] : memref<819200x64xf32, #tpu.memory_space<hbm>> -> memref<512x64xf32, #tpu.memory_space<hbm>>
    %dma_wait3A_139 = arith.constant 0 : i32
    %dma_wait3A_140 = arith.constant 0 : i32
    %dma_wait3A_141 = tpu.memref_slice %arg6[%dma_wait3A_125, %dma_wait3A_139, %dma_wait3A_140] : memref<2x512x64xf32, #tpu.memory_space<vmem>> -> memref<1x512x64xf32, #tpu.memory_space<vmem>>
    %dma_wait3A_142 = tpu.memref_squeeze %dma_wait3A_141 : memref<1x512x64xf32, #tpu.memory_space<vmem>> -> memref<512x64xf32, #tpu.memory_space<vmem>>
    tpu.wait_dma2 semaphore(%dma_wait3A_135 : memref<!tpu.dma_semaphore, #tpu.memory_space<semaphore_mem>>) src(%dma_wait3A_142 : memref<512x64xf32, #tpu.memory_space<vmem>>) dst(%dma_wait3A_138 : memref<512x64xf32, #tpu.memory_space<hbm>>)
    return
  }
}

</mosaic_0001>

<sc_bundles>
// kernel: kernel.3.cloned.1.call-start
scs
__scs_entry_jumppad:
0x0: {  	(pc) =	sbr.rel $0x88, $3  }
0x1: {  	(tag) =	ssettag $0x0;
	lr =	simm.s32 $0x1  }
0x2: {  	[smem:$0x3F9F] =	sst lr;
	_ =	strace $0xD0000000  }
0x3: {  	_ = 	snop  }
0x4: {  	_ = 	snop  }
0x5: {  	_ = 	snop  }
0x6: {  	_ = 	snop  }
0x7: {  	_ = 	snop  }
__scs_overlays_trampoline_lowered:
0x8: {  	[smem:$0x3FAE] =	sst s0  }
0x9: {  	[smem:$0x3FAF] =	sst s1  }
0xa: {  	[smem:$0x3FB0] =	sst s2  }
0xb: {  	[smem:$0x3FB1] =	sst s3  }
0xc: {  	[smem:$0x3FB2] =	sst s4  }
0xd: {  	[smem:$0x3FB3] =	sst s5  }
0xe: {  	[smem:$0x3FB4] =	sst s6  }
0xf: {  	[smem:$0x3FB5] =	sst s7  }
0x10: {  	[smem:$0x3FB6] =	sst s8  }
0x11: {  	[smem:$0x3FB7] =	sst s9;
	s0 =	simm.s32 @!p0 $0x0  }
0x12: {  	s1 =	sld [smem:$0x3F9D];
	s0 =	simm.s32 @p0 $0x1  }
0x13: {  	[smem:$0x3FB8] =	sst s0;
	s0 =	simm.s32 @!p1 $0x0  }
0x14: {  	s2 =	sld [smem:$0x3F9C];
	s0 =	simm.s32 @p1 $0x1  }
0x15: {  	[smem:$0x3FB9] =	sst s0;
	s0 =	simm.s32 @!p2 $0x0  }
0x16: {  	s3 =	sld [smem:$0x3FDB];
	s0 =	simm.s32 @p2 $0x1  }
0x17: {  	s4 =	simm.s32 $0x1BF5;
	[smem:$0x3FBB] =	sst s0  }
0x18: {  	s0 =	sld [smem:$0x3F9E];
	_ =	swait.ge [sflag:s4], $0x0  }
0x19: {  	s7 =	sld [smem:$0x3F9F]  }
0x1a: {  	s8 =	sadd.s32 $0xFFFFE003, lr  }
0x1b: {  	s9 =	sadd.s32 $0xFFFFFEF7, lr;
	s5 =	simm.s32 $0xFFFFFFFF;
	p2 =	slt.u32 s8, $0xFFFFF086  }
0x1c: {  	p1 =	slt.u32 s9, $0xF7A;
	s5 =	simm.s32 @!p2 $0x0  }
0x1d: {  	s5 =	simm.s32 @p1 $0x1;
	p0 =	seq.s32 s7, s2  }
0x1e: {  	s7 =	smul.u32 @!p0 $0xF7A, s2;
	p2 =	seq.s32 @!p0 s5, $0x0  }
0x1f: {  	s9 =	smul.u32 $0xF7A, s1;
	s8 =	simm.s32 @!p0 $0x1BF5;
	p2 =	por !p2, p0  }
0x20: {  	[sflag:s8] =	ssyncset.s32 @!p0 $0xFFFFF086;
	s6 =	sadd.s32 @!p0 s3, s7;
	s7 =	simm.s32 @!p0 $0x108  }
0x21: {  	s3 =	sadd.s32 s3, s9;
	s6 =	sadd.s32 @!p0 $0x88, s6;
	s7 =	simm.s32 @p2 $0x1082  }
0x22: {  	[simem:s7], [sflag:s8] =	dma.local @!p0 [hbm:s6], $0xF7A  }
0x23: {  	s9 =	sor.u32 $0xD0000000, s2;
	s6 =	simm.s32 $0x108;
	_ =	swait.ge @!p0 [sflag:s8], $0x0  }
0x24: {  	s3 =	sadd.s32 $0x88, s3;
	s6 =	simm.s32 @!p1 $0x1082;
	[sflag:s4] =	ssyncset.s32 $0xFFFFF086  }
0x25: {  	[simem:s6], [sflag:s4] =	dma.local [hbm:s3], $0xF7A  }
0x26: {  	[smem:$0x3F9F] =	sst s1;
	(tag) =	ssettag s2;
	_ =	strace s9  }
0x27: {  	s1 =	sld [smem:$0x3FAF]  }
0x28: {  	s2 =	sld [smem:$0x3FB0]  }
0x29: {  	s4 =	sld [smem:$0x3FB2]  }
0x2a: {  	p0 =	seq.s32 s5, $0x0;
	s5 =	sld [smem:$0x3FB3]  }
0x2b: {  	s6 =	sld [smem:$0x3FB4]  }
0x2c: {  	s7 =	sld [smem:$0x3FB5]  }
0x2d: {  	s3 =	simm.s32 $0x108;
	s8 =	sld [smem:$0x3FB6]  }
0x2e: {  	s3 =	simm.s32 @!p0 $0x1082;
	s9 =	sld [smem:$0x3FB7]  }
0x2f: {  	lr =	sadd.s32 s0, s3;
	s0 =	sld [smem:$0x3FAE]  }
0x30: {  	s3 =	sld [smem:$0x3FB1]  }
0x31: {  	[smem:$0x3FBA] =	sst s10  }
0x32: {  	s10 =	sld [smem:$0x3FB8];
	_ =	sdelay $0x3  }
0x33: {  	p0 =	seq.s32 s10, $0x1;
	s10 =	sld [smem:$0x3FBA];
	_ =	sdelay $0x3  }
0x34: {  	[smem:$0x3FBA] =	sst s10  }
0x35: {  	s10 =	sld [smem:$0x3FB9];
	_ =	sdelay $0x3  }
0x36: {  	p1 =	seq.s32 s10, $0x1;
	s10 =	sld [smem:$0x3FBA];
	_ =	sdelay $0x3  }
0x37: {  	[smem:$0x3FBA] =	sst s10  }
0x38: {  	s10 =	sld [smem:$0x3FBB]  }
0x39: {  	_ = 	snop;
	(pc) =	sbr.ind lr, $3  }
0x3a: {  	_ = 	snop  }
0x3b: {  	_ = 	snop  }
0x3c: {  	p2 =	seq.s32 s10, $0x1;
	s10 =	sld [smem:$0x3FBA]  }
0x3d: {  	_ =	shalt  }
0x3e: {  	_ =	shalt  }
0x3f: {  	_ =	shalt  }
0x40: {  	_ =	shalt  }
0x41: {  	_ =	shalt  }
0x42: {  	_ =	shalt  }
0x43: {  	_ =	shalt  }
0x44: {  	_ =	shalt  }
0x45: {  	_ =	shalt  }
0x46: {  	_ =	shalt  }
0x47: {  	_ =	shalt  }
0x48: {  	_ =	shalt  }
0x49: {  	_ =	shalt  }
0x4a: {  	_ =	shalt  }
0x4b: {  	_ =	shalt  }
0x4c: {  	_ =	shalt  }
0x4d: {  	_ =	shalt  }
0x4e: {  	_ =	shalt  }
0x4f: {  	_ =	shalt  }
0x50: {  	_ =	shalt  }
0x51: {  	_ =	shalt  }
0x52: {  	_ =	shalt  }
0x53: {  	_ =	shalt  }
0x54: {  	_ =	shalt  }
0x55: {  	_ =	shalt  }
0x56: {  	_ =	shalt  }
0x57: {  	_ =	shalt  }
0x58: {  	_ =	shalt  }
0x59: {  	_ =	shalt  }
0x5a: {  	_ =	shalt  }
0x5b: {  	_ =	shalt  }
0x5c: {  	_ =	shalt  }
0x5d: {  	_ =	shalt  }
0x5e: {  	_ =	shalt  }
0x5f: {  	_ =	shalt  }
0x60: {  	_ =	shalt  }
0x61: {  	_ =	shalt  }
0x62: {  	_ =	shalt  }
0x63: {  	_ =	shalt  }
0x64: {  	_ =	shalt  }
0x65: {  	_ =	shalt  }
0x66: {  	_ =	shalt  }
0x67: {  	_ =	shalt  }
0x68: {  	_ =	shalt  }
0x69: {  	_ =	shalt  }
0x6a: {  	_ =	shalt  }
0x6b: {  	_ =	shalt  }
0x6c: {  	_ =	shalt  }
0x6d: {  	_ =	shalt  }
0x6e: {  	_ =	shalt  }
0x6f: {  	_ =	shalt  }
0x70: {  	_ =	shalt  }
0x71: {  	_ =	shalt  }
0x72: {  	_ =	shalt  }
0x73: {  	_ =	shalt  }
0x74: {  	_ =	shalt  }
0x75: {  	_ =	shalt  }
0x76: {  	_ =	shalt  }
0x77: {  	_ =	shalt  }
0x78: {  	_ =	shalt  }
0x79: {  	_ =	shalt  }
0x7a: {  	_ =	shalt  }
0x7b: {  	_ =	shalt  }
0x7c: {  	_ =	shalt  }
0x7d: {  	_ =	shalt  }
0x7e: {  	_ =	shalt  }
0x7f: {  	_ =	shalt  }
0x80: {  	_ =	shalt  }
0x81: {  	_ =	shalt  }
0x82: {  	_ =	shalt  }
0x83: {  	_ =	shalt  }
0x84: {  	_ =	shalt  }
0x85: {  	_ =	shalt  }
0x86: {  	_ =	shalt  }
0x87: {  	_ =	shalt  }
.Lfunc_end0:
.L_simem_size_0:
called_computation.1_lowered:
.L_overlay_start_0:
0x88: {  	s2 =	sld [smem:$0x3FD9]  }
0x89: {  	s3 =	sld [smem:$0x3FFE];
	_ =	sdelay $0x1  }
0x8a: {  	s1 =	srdreg.scid  }
0x8b: {  	s0 =	sand.u32 $0x1, s1  }
0x8c: {  	s17 =	sshll.u32 s0, $0xA;
	s2 =	sadd.s32 s3, s2  }
0x8d: {  	s2 =	sadd.s32 s2, s17  }
0x8e: {  	[smem:$0x3FC6] =	sst s2  }
0x8f: {  	_ = 	snop  }
0x90: {  	s2 =	sld [smem:$0x3FD0];
	(tm) =	ssettm $0x1  }
0x91: {  	s18 =	sld [smem:$0x3FFB];
	_ =	sdelay $0x3  }
0x92: {  	_ =	strace s18  }
0x93: {  	s3 =	sld [smem:$0x3FFC];
	_ =	sdelay $0x3  }
0x94: {  	_ =	strace s3  }
0x95: {  	s3 =	sld [smem:$0x3FFD];
	_ =	sdelay $0x3  }
0x96: {  	_ =	strace s3  }
0x97: {  	_ =	strace $0x8FFFFFFF  }
0x98: {  	s19 =	sld [smem:$0x3FDB];
	_ =	sdelay $0x1  }
0x99: {  	s4 =	simm.s32 $_scs_section_size  }
0x9a: {  	s5 =	simm.s32 $_size__tile_overlayer_lowered;
	s6 =	simm.s32 $_tile_overlayer_lowered  }
0x9b: {  	s22 =	simm.s32 $0x1BFF;
	s21 =	sshll.u32 s6, $0x1;
	s3 =	sadd.s32 s4, s19  }
0x9c: {  	s7 =	simm.s32 $0x0;
	s20 =	sshll.u32 s5, $0x1;
	s5 =	sadd.s32 s21, s3  }
0x9d: {  	[timem:s7], [sflag:s22] =	dma.local [hbm:s5], s20  }
0x9e: {  	_ =	swait.ge [sflag:s22], s20  }
0x9f: {  	s4 =	ssub.s32 $0x0, s20;
	[sflag:s22] =	ssyncset.done $0x0  }
0xa0: {  	[sflag:s22] =	ssyncadd.s32 s4;
	_ =	sdelay $0x1  }
0xa1: {  	s23 =	simm.s32 $0x1B8B  }
0xa2: {  	_ =	swait.ge [sflag:s23], $0x1  }
0xa3: {  	[sflag:s23] =	ssyncset.done $0x0  }
0xa4: {  	s25 =	simm.s32 $0x1B8E;
	s24 =	sld [smem:$0x3FFE];
	[sflag:s23] =	ssyncadd.s32 $0xFFFFFFFF  }
0xa5: {  	s26 =	simm.s32 $execute0_lowered;
	[smem:$0x3FD2] =	sst s25  }
0xa6: {  	s5 =	sshll.u32 s26, $0x1;
	_ =	strace $0x80000046;
	[dreg:$0x1] =	wrdreg $0xFFFFFFFF  }
0xa7: {  	s28 =	simm.s32 $_size_execute0_lowered;
	s3 =	sadd.s32 s3, s5;
	[dreg:$0x0] =	wrdreg $0x0  }
0xa8: {  	s5 =	sshll.u32 s28, $0x1;
	[dreg:$0x2] =	wrdreg s3  }
0xa9: {  	[dreg:$0x3] =	wrdreg s5  }
0xaa: {  	[dreg:$0x4] =	wrdreg $0xC0  }
0xab: {  	_ =	task [dreg:s7], $0x5FFFF  }
0xac: {  	[dreg:$0x1] =	wrdreg $0xFFFFFFFF  }
0xad: {  	[dreg:$0x0] =	wrdreg $0x60  }
0xae: {  	[dreg:$0x2] =	wrdreg s24  }
0xaf: {  	[dreg:$0x3] =	wrdreg s2  }
0xb0: {  	[dreg:$0x4] =	wrdreg $0x9  }
0xb1: {  	_ =	task.clear_ibuf [dreg:s7], $0x5FFFF;
	_ =	strace $0x90000046  }
0xb2: {  	s29 =	simm.s32 $0x9;
	_ =	strace $0x80000048  }
0xb3: {  	_ =	swait.ge [sflag:s29], $0x1  }
0xb4: {  	[sflag:s29] =	ssyncadd.s32 $0xFFFFFFFF  }
0xb5: {  	_ =	strace $0x90000048  }
0xb6: {  	_ =	sfence  }
0xb7: {  	s30 =	sld [smem:$0x0];
	_ =	sdelay $0x2  }
0xb8: {  	s31 =	sshll.u32 s1, $0xD;
	s1 =	sshrl.u32 s1, $0x2  }
0xb9: {  	s3 =	sand.u32 $0x4000, s31;
	s1 =	sadd.s32 s1, s30  }
0xba: {  	s0 =	sor.u32 s3, s0;
	s1 =	sshll.u32 s1, $0x11  }
0xbb: {  	s0 =	sor.u32 s1, s0  }
0xbc: {  	s0 =	sadd.s32 $0x8F2B, s0  }
0xbd: {  	[sflag:s0] =	ssyncadd.remote.s32 $0x1  }
0xbe: {  	_ =	sfence.sel $0xFFFF  }
0xbf: {  	[dreg:$0x0] =	wrdreg $0xFFFFFFFF;
	(pc) =	sbr.abs _section_cstart, $3  }
0xc0: {  	[dreg:$0x1] =	wrdreg $0xFFFFFFFF  }
0xc1: {  	_ =	task.clear_ibuf [dreg:s7], $0x2FFFF;
	_ =	strace $0x9FFFFFFF  }
0xc2: {  	(tm) =	ssettm $0x7FFFFFFF  }
0xc3: {  	_ =	shalt  }
tec
execute0_lowered:
.L_overlay_start_1:
0x0: {  	(tag) =	ssettag $0x1  }
0x1: {  	s0 =	srdreg.scid;
	s4 =	rddreg [dreg:$0x0]  }
0x2: {  	s3 =	stileid.u32;
	s8 =	rddreg [dreg:$0x1]  }
0x3: {  	s2 =	simm.s32 $0x0;
	s9 =	simm.s32 $0x5;
	s10 =	simm.s32 $0x80  }
0x4: {  	s11 =	simm.s32 $0x6400;
	s18 =	simm.s32 $0xE400;
	s24 =	simm.s32 $0x14400  }
0x5: {  	s25 =	simm.s32 $0x2;
	s26 =	simm.s32 $0x4;
	s28 =	simm.s32 $0x3  }
0x6: {  	s0 =	sand.u32 $0x1, s0;
	s1 =	sshll.u32 s3, $0x1;
	s6 =	smul.u32 $0x320000, s3  }
0x7: {  	s1 =	sor.u32 s0, s1;
	s7 =	ssub.s32 $0x2, s0;
	s0 =	smul.u32 $0x190000, s0  }
0x8: {  	s29 =	simm.s32 $0x0;
	[smem:$0x7FF] =	sst s2;
	s5 =	smul.u32 $0xC80, s1  }
0x9: {  	s3 =	sadd.s32 $0xF42E00, s4;
	s1 =	smul.u32 $0x190000, s1;
	s31 =	sshrl.u32 s7, $0x1  }
0xa: {  	_ =	strace $0x80000047;
	s7 =	ssub.s32 s7, s31;
	s0 =	sadd.s32 s0, s6  }
0xb: {  	s4 =	sadd.s32 s5, s4;
	s1 =	sshrl.u32 s1, $0x3;
	s0 =	sor.u32 $0x8000, s0  }
0xc: {  	s7 =	smax.u32 s7, $0x1;
	s5 =	sadd.s32 s8, s1;
	s0 =	sshrl.u32 s0, $0x3  }
0xd: {  	s4 =	sadd.s32 $0xA00, s4;
	s6 =	sadd.s32 $0x31000, s5;
	s14 =	sadd.s32 s0, s8  }
.LBB2_1:
0xe: {  	[tilespmem:s2], [sflag:$0x5] =	stream.linear.gather [hbm4b:s4+s2], $0x6400, $0x38;
	[tilespmem:$0x16400] =	vst v63  }
0xf: {  	_ =	swait.ge [sflag:s9], $0x6400  }
0x10: {  	[sflag:s9] =	ssyncset.done $0x0  }
0x11: {  	[sflag:s9] =	ssyncadd.s32 $0xFFFF9C00  }
0x12: {  	[tilespmem:s11], [sflag:$0x1] =	stream.indirect.gather [hbm4b:s3+s10], $0x40, s2, s10, $0xb8;
	[tilespmem:$0x16400] =	vst v63  }
0x13: {  	s0 =	simm.s32 $0x8400  }
0x14: {  	[tilespmem:s0], [sflag:$0x1] =	stream.indirect.gather [hbm4b:s3+s10], $0x40, s10, s10, $0xb8;
	[tilespmem:$0x16400] =	vst v63  }
0x15: {  	s23 =	simm.s32 $0x100;
	s1 =	simm.s32 $0xA400  }
0x16: {  	[tilespmem:s1], [sflag:$0x1] =	stream.indirect.gather [hbm4b:s3+s10], $0x40, s23, s10, $0xb8;
	[tilespmem:$0x16400] =	vst v63  }
0x17: {  	s8 =	simm.s32 $0xC400;
	s1 =	simm.s32 $0x180  }
0x18: {  	[tilespmem:s8], [sflag:$0x1] =	stream.indirect.gather [hbm4b:s3+s10], $0x40, s1, s10, $0xb8;
	[tilespmem:$0x16400] =	vst v63  }
0x19: {  	s12 =	simm.s32 $0x200  }
0x1a: {  	[tilespmem:s18], [sflag:$0x2] =	stream.indirect.gather [hbm4b:s3+s10], $0x40, s12, s10, $0xb8;
	[tilespmem:$0x16400] =	vst v63  }
0x1b: {  	s13 =	simm.s32 $0x280;
	s15 =	simm.s32 $0x10400  }
0x1c: {  	[tilespmem:s15], [sflag:$0x2] =	stream.indirect.gather [hbm4b:s3+s10], $0x40, s13, s10, $0xb8;
	[tilespmem:$0x16400] =	vst v63  }
0x1d: {  	s16 =	simm.s32 $0x300;
	s17 =	simm.s32 $0x12400  }
0x1e: {  	[tilespmem:s17], [sflag:$0x2] =	stream.indirect.gather [hbm4b:s3+s10], $0x40, s16, s10, $0xb8;
	[tilespmem:$0x16400] =	vst v63  }
0x1f: {  	s19 =	simm.s32 $0x380;
	s20 =	simm.s32 $0x1  }
0x20: {  	[tilespmem:s24], [sflag:$0x2] =	stream.indirect.gather [hbm4b:s3+s10], $0x40, s19, s10, $0xb8;
	[tilespmem:$0x16400] =	vst v63  }
0x21: {  	s8 =	sand.u32 $0x1, s20;
	_ =	swait.ge [sflag:s20], $0x8000  }
0x22: {  	s21 =	sxor.u32 $0x1, s8;
	[sflag:s20] =	ssyncset.done $0x0  }
0x23: {  	s30 =	simm.s32 $0x480;
	s12 =	sadd.s32 $0x3, s21;
	[sflag:s20] =	ssyncadd.s32 $0xFFFF8000  }
0x24: {  	[hbm4b:s5+s2] =	stream.linear.scatter [tilespmem:s11], [sflag:$0x3], $0x8000, $0x38;
	[tilespmem:$0x16400] =	vst v63  }
0x25: {  	s31 =	sadd.s32 $0x1000, s14;
	s0 =	simm.s32 $0x800;
	_ =	swait.ge [sflag:s12], $0x8000  }
0x26: {  	s1 =	sadd.s32 $0x1, s21;
	s15 =	sshll.u32 s21, $0xF;
	[sflag:s12] =	ssyncset.done $0x0  }
0x27: {  	s22 =	sor.u32 $0x6400, s15;
	s16 =	simm.s32 $0x400;
	[sflag:s12] =	ssyncadd.s32 $0xFFFF8000  }
0x28: {  	[tilespmem:s22], [sflag:s1] =	stream.indirect.gather [hbm4b:s3+s10], $0x40, s16, s10, $0xb8;
	[tilespmem:$0x16400] =	vst v63  }
0x29: {  	s23 =	simm.s32 $0x2;
	s13 =	sshll.u32 s8, $0xF;
	s17 =	sadd.s32 $0x8400, s15  }
0x2a: {  	[tilespmem:s17], [sflag:s1] =	stream.indirect.gather [hbm4b:s3+s10], $0x40, s30, s10, $0xb8;
	[tilespmem:$0x16400] =	vst v63  }
0x2b: {  	s21 =	sadd.s32 $0x1, s8;
	s19 =	sadd.s32 $0xA400, s15;
	s20 =	simm.s32 $0x500  }
0x2c: {  	[tilespmem:s19], [sflag:s1] =	stream.indirect.gather [hbm4b:s3+s10], $0x40, s20, s10, $0xb8;
	[tilespmem:$0x16400] =	vst v63  }
0x2d: {  	s22 =	sadd.s32 $0xC400, s15;
	s30 =	sand.u32 $0x1, s23;
	s23 =	simm.s32 $0x580  }
0x2e: {  	[tilespmem:s22], [sflag:s1] =	stream.indirect.gather [hbm4b:s3+s10], $0x40, s23, s10, $0xb8;
	[tilespmem:$0x16400] =	vst v63  }
0x2f: {  	s12 =	simm.s32 $0x1000;
	s15 =	sor.u32 $0x6400, s13;
	_ =	swait.ge [sflag:s21], $0x8000  }
0x30: {  	s13 =	simm.s32 $0x3;
	s16 =	sadd.s32 $0x3, s8;
	[sflag:s21] =	ssyncset.done $0x0  }
0x31: {  	s8 =	smov.u32 s14;
	s1 =	sshll.u32 s30, $0xF;
	[sflag:s21] =	ssyncadd.s32 $0xFFFF8000  }
.LBB2_2:
0x32: {  	[hbm4b:s8+s2] =	stream.linear.scatter [tilespmem:s15], [sflag:s16], $0x8000, $0x38;
	[tilespmem:$0x16400] =	vst v63  }
0x33: {  	s16 =	smov.u32 s30;
	s15 =	smov.u32 s1;
	s17 =	smov.u32 s12  }
0x34: {  	s30 =	sand.u32 $0x1, s13;
	p0 =	sne.s32 s12, $0x17800;
	s19 =	sxor.u32 $0x1, s16  }
0x35: {  	s1 =	sshll.u32 s30, $0xF;
	s20 =	sadd.s32 $0x3, s19;
	s21 =	sshll.u32 s19, $0xF  }
0x36: {  	s12 =	sadd.s32 $0x800, s12;
	s8 =	smov.u32 s31;
	_ =	swait.ge [sflag:s20], $0x8000  }
0x37: {  	s22 =	sshra.s32 s0, $0x2;
	s19 =	sadd.s32 $0x1, s19;
	[sflag:s20] =	ssyncset.done $0x0  }
0x38: {  	s0 =	sor.u32 $0x6400, s21;
	[sflag:s20] =	ssyncadd.s32 $0xFFFF8000;
	s20 =	sadd.s32 $0x400, s22  }
0x39: {  	[tilespmem:s0], [sflag:s19] =	stream.indirect.gather [hbm4b:s3+s10], $0x40, s20, s10, $0xb8;
	[tilespmem:$0x16400] =	vst v63  }
0x3a: {  	s23 =	sadd.s32 $0x480, s22;
	s20 =	sadd.s32 $0x8400, s21;
	s0 =	smov.u32 s17  }
0x3b: {  	[tilespmem:s20], [sflag:s19] =	stream.indirect.gather [hbm4b:s3+s10], $0x40, s23, s10, $0xb8;
	[tilespmem:$0x16400] =	vst v63  }
0x3c: {  	s17 =	sadd.s32 $0xA400, s21;
	s20 =	sadd.s32 $0x500, s22;
	s23 =	sadd.s32 $0x1, s16  }
0x3d: {  	[tilespmem:s17], [sflag:s19] =	stream.indirect.gather [hbm4b:s3+s10], $0x40, s20, s10, $0xb8;
	[tilespmem:$0x16400] =	vst v63  }
.Ltmp0:
0x3e: {  	s17 =	sadd.s32 $0xC400, s21;
	s20 =	sadd.s32 $0x580, s22;
	(pc) =	sbr.rel @p0 .LBB2_2-.Ltmp0, $4  }
0x3f: {  	[tilespmem:s17], [sflag:s19] =	stream.indirect.gather [hbm4b:s3+s10], $0x40, s20, s10, $0xb8;
	[tilespmem:$0x16400] =	vst v63  }
0x40: {  	_ =	swait.ge [sflag:s23], $0x8000  }
0x41: {  	s31 =	sadd.s32 $0x1000, s31;
	s15 =	sor.u32 $0x6400, s15;
	[sflag:s23] =	ssyncset.done $0x0  }
0x42: {  	s13 =	sadd.s32 $0x1, s13;
	s16 =	sadd.s32 $0x3, s16;
	[sflag:s23] =	ssyncadd.s32 $0xFFFF8000  }
0x43: {  	[hbm4b:s8+s2] =	stream.linear.scatter [tilespmem:s15], [sflag:s16], $0x8000, $0x38;
	[tilespmem:$0x16400] =	vst v63  }
0x44: {  	s23 =	sxor.u32 $0x1, s30  }
0x45: {  	s12 =	sadd.s32 $0x3, s23  }
0x46: {  	s0 =	sshra.s32 s0, $0x2;
	_ =	swait.ge [sflag:s12], $0x8000  }
0x47: {  	s13 =	sshll.u32 s23, $0xF;
	s8 =	sadd.s32 $0x1, s23;
	[sflag:s12] =	ssyncset.done $0x0  }
0x48: {  	s16 =	sadd.s32 $0x400, s0;
	s15 =	sor.u32 $0x6400, s13;
	[sflag:s12] =	ssyncadd.s32 $0xFFFF8000  }
0x49: {  	[tilespmem:s15], [sflag:s8] =	stream.indirect.gather [hbm4b:s3+s10], $0x40, s16, s10, $0xb8;
	[tilespmem:$0x16400] =	vst v63  }
0x4a: {  	s19 =	sadd.s32 $0x480, s0;
	s17 =	sadd.s32 $0x8400, s13  }
0x4b: {  	[tilespmem:s17], [sflag:s8] =	stream.indirect.gather [hbm4b:s3+s10], $0x40, s19, s10, $0xb8;
	[tilespmem:$0x16400] =	vst v63  }
0x4c: {  	s21 =	sadd.s32 $0x500, s0;
	s20 =	sadd.s32 $0xA400, s13  }
0x4d: {  	[tilespmem:s20], [sflag:s8] =	stream.indirect.gather [hbm4b:s3+s10], $0x40, s21, s10, $0xb8;
	[tilespmem:$0x16400] =	vst v63  }
0x4e: {  	s22 =	sadd.s32 $0x1, s30;
	s0 =	sadd.s32 $0x580, s0;
	s13 =	sadd.s32 $0xC400, s13  }
0x4f: {  	[tilespmem:s13], [sflag:s8] =	stream.indirect.gather [hbm4b:s3+s10], $0x40, s0, s10, $0xb8;
	[tilespmem:$0x16400] =	vst v63  }
0x50: {  	_ =	swait.ge [sflag:s22], $0x8000  }
0x51: {  	[sflag:s22] =	ssyncset.done $0x0  }
0x52: {  	s30 =	sadd.s32 $0x3, s30;
	s23 =	sor.u32 $0x6400, s1;
	[sflag:s22] =	ssyncadd.s32 $0xFFFF8000  }
0x53: {  	[hbm4b:s31+s2] =	stream.linear.scatter [tilespmem:s23], [sflag:s30], $0x8000, $0x38;
	[tilespmem:$0x16400] =	vst v63  }
0x54: {  	_ =	swait.ge [sflag:s25], $0x8000  }
0x55: {  	[sflag:s25] =	ssyncset.done $0x0  }
0x56: {  	s29 =	sadd.s32 $0x1, s29;
	[sflag:s25] =	ssyncadd.s32 $0xFFFF8000  }
0x57: {  	[hbm4b:s6+s2] =	stream.linear.scatter [tilespmem:s18], [sflag:$0x4], $0x8000, $0x38;
	[tilespmem:$0x16400] =	vst v63  }
0x58: {  	p0 =	sne.s32 s29, s7;
	_ =	swait.ge [sflag:s26], $0x8000  }
.Ltmp1:
0x59: {  	[sflag:s26] =	ssyncset.done $0x0;
	(pc) =	sbr.rel @p0 .LBB2_1-.Ltmp1, $4  }
0x5a: {  	[sflag:s26] =	ssyncadd.s32 $0xFFFF8000  }
0x5b: {  	_ =	swait.ge [sflag:s28], $0x8000  }
0x5c: {  	[sflag:s28] =	ssyncset.done $0x0  }
0x5d: {  	[sflag:s28] =	ssyncadd.s32 $0xFFFF8000  }
0x5e: {  	_ =	sfence.sel $0x180000  }
0x5f: {  	[bflag:$0x0] =	sbarrier.arrive $0xFFFF  }
0x60: {  	_ =	strace $0x90000047  }
0x61: {  	s0 =	stileid.u32;
	[bflag:$0x2] =	sbarrier.arrive $0xFFFF  }
0x62: {  	p0 =	sne.s32 s0, $0x0;
	s0 =	rddreg [dreg:$0x2]  }
0x63: {  	s0 =	sadd.s32 @!p0 $0x100000, s0  }
0x64: {  	[sflag:s0] =	ssyncadd.tile.s32 @!p0 $0x1;
	_ =	shalt  }
.Lfunc_end2:
_tile_overlayer_lowered:
.L_overlay_start_2:
0x65: {  	(tag) =	ssettag $0x2  }
0x66: {  	s0 =	rddreg [dreg:$0x0];
	s2 =	stileid.u32  }
0x67: {  	s1 =	rddreg [dreg:$0x1];
	p0 =	sne.s32 s2, $0x0  }
0x68: {  	s3 =	rddreg [dreg:$0x2];
	[bflag:$0x3] =	sbarrier.arrive $0xFFFF;
	s2 =	simm.s32 @!p0 $0x1C05  }
0x69: {  	[timem:s3], [sflag:s2] =	dma.local @!p0 [hbm:s0], s1  }
0x6a: {  	s0 =	simm.s32 @!p0 $0x5  }
0x6b: {  	_ =	swait.ge @!p0 [sflag:s0], s1  }
0x6c: {  	s1 =	ssub.s32 @!p0 $0x0, s1;
	[sflag:s0] =	ssyncset.done @!p0 $0x0  }
0x6d: {  	[sflag:s0] =	ssyncadd.s32 @!p0 s1  }
0x6e: {  	[bflag:$0x3] =	sbarrier.arrive $0xFFFF  }
0x6f: {  	_ =	shalt  }

// kernel: sparse-core-data-format-call.cloned.1.call-start
scs
called_computation_lowered:
.L_overlay_start_0:
0x0: {  	s2 =	sld [smem:$0x3FD9]  }
0x1: {  	s3 =	sld [smem:$0x3FFE];
	_ =	sdelay $0x1  }
0x2: {  	s1 =	srdreg.scid  }
0x3: {  	s0 =	sand.u32 $0x1, s1  }
0x4: {  	s18 =	sshll.u32 s0, $0xA;
	s2 =	sadd.s32 s3, s2  }
0x5: {  	s2 =	sadd.s32 s2, s18  }
0x6: {  	[smem:$0x3FC6] =	sst s2  }
0x7: {  	_ = 	snop  }
0x8: {  	s2 =	sld [smem:$0x3FD0];
	(tm) =	ssettm $0x1  }
0x9: {  	s19 =	sld [smem:$0x3FFB];
	_ =	sdelay $0x3  }
0xa: {  	_ =	strace s19  }
0xb: {  	s3 =	sld [smem:$0x3FFC];
	_ =	sdelay $0x3  }
0xc: {  	_ =	strace s3  }
0xd: {  	s3 =	sld [smem:$0x3FFD];
	_ =	sdelay $0x3  }
0xe: {  	_ =	strace s3  }
0xf: {  	_ =	strace $0x8FFFFFFF  }
0x10: {  	s20 =	sld [smem:$0x3FDB];
	_ =	sdelay $0x1  }
0x11: {  	s4 =	simm.s32 $_scs_section_size  }
0x12: {  	s5 =	simm.s32 $_size__tile_overlayer_lowered;
	s6 =	simm.s32 $_tile_overlayer_lowered  }
0x13: {  	s23 =	simm.s32 $0x1BFF;
	s22 =	sshll.u32 s6, $0x1;
	s3 =	sadd.s32 s4, s20  }
0x14: {  	s7 =	simm.s32 $0x0;
	s21 =	sshll.u32 s5, $0x1;
	s5 =	sadd.s32 s22, s3  }
0x15: {  	[timem:s7], [sflag:s23] =	dma.local [hbm:s5], s21  }
0x16: {  	_ =	swait.ge [sflag:s23], s21  }
0x17: {  	s4 =	ssub.s32 $0x0, s21;
	[sflag:s23] =	ssyncset.done $0x0  }
0x18: {  	[sflag:s23] =	ssyncadd.s32 s4;
	_ =	sdelay $0x1  }
0x19: {  	s24 =	simm.s32 $0x1B8B  }
0x1a: {  	_ =	swait.ge [sflag:s24], $0x1  }
0x1b: {  	[sflag:s24] =	ssyncset.done $0x0  }
0x1c: {  	s26 =	simm.s32 $0x1B8E;
	s25 =	sld [smem:$0x3FFE];
	[sflag:s24] =	ssyncadd.s32 $0xFFFFFFFF  }
0x1d: {  	s27 =	simm.s32 $execute0_lowered;
	[smem:$0x3FD2] =	sst s26  }
0x1e: {  	s5 =	sshll.u32 s27, $0x1;
	_ =	strace $0x80000049;
	[dreg:$0x1] =	wrdreg $0xFFFFFFFF  }
0x1f: {  	s28 =	simm.s32 $_size_execute0_lowered;
	s3 =	sadd.s32 s3, s5;
	[dreg:$0x0] =	wrdreg $0x0  }
0x20: {  	s5 =	sshll.u32 s28, $0x1;
	[dreg:$0x2] =	wrdreg s3  }
0x21: {  	[dreg:$0x3] =	wrdreg s5  }
0x22: {  	[dreg:$0x4] =	wrdreg $0xC0  }
0x23: {  	_ =	task [dreg:s7], $0x5FFFF  }
0x24: {  	[dreg:$0x1] =	wrdreg $0xFFFFFFFF  }
0x25: {  	[dreg:$0x0] =	wrdreg $0x60  }
0x26: {  	[dreg:$0x2] =	wrdreg s25  }
0x27: {  	[dreg:$0x3] =	wrdreg s2  }
0x28: {  	[dreg:$0x4] =	wrdreg $0x9  }
0x29: {  	_ =	task.clear_ibuf [dreg:s7], $0x5FFFF;
	_ =	strace $0x90000049  }
0x2a: {  	s29 =	simm.s32 $0x9;
	_ =	strace $0x8000004B  }
0x2b: {  	_ =	swait.ge [sflag:s29], $0x1  }
0x2c: {  	[sflag:s29] =	ssyncadd.s32 $0xFFFFFFFF  }
0x2d: {  	_ =	strace $0x9000004B  }
0x2e: {  	_ =	sfence  }
0x2f: {  	s30 =	sld [smem:$0x0];
	_ =	sdelay $0x2  }
0x30: {  	s31 =	sshll.u32 s1, $0xD;
	s1 =	sshrl.u32 s1, $0x2  }
0x31: {  	s3 =	sand.u32 $0x4000, s31;
	s1 =	sadd.s32 s1, s30  }
0x32: {  	s0 =	sor.u32 s3, s0;
	s1 =	sshll.u32 s1, $0x11  }
0x33: {  	s0 =	sor.u32 s1, s0  }
0x34: {  	s0 =	sadd.s32 $0x8F2B, s0  }
0x35: {  	[sflag:s0] =	ssyncadd.remote.s32 $0x1  }
0x36: {  	_ =	sfence.sel $0xFFFF  }
0x37: {  	[dreg:$0x0] =	wrdreg $0xFFFFFFFF;
	(pc) =	sbr.abs _section_cstart, $3  }
0x38: {  	[dreg:$0x1] =	wrdreg $0xFFFFFFFF  }
0x39: {  	_ =	task.clear_ibuf [dreg:s7], $0x2FFFF;
	_ =	strace $0x9FFFFFFF  }
0x3a: {  	(tm) =	ssettm $0x7FFFFFFF  }
0x3b: {  	_ =	shalt  }
tec
execute0_lowered:
.L_overlay_start_1:
0x0: {  	(tag) =	ssettag $0x1  }
0x1: {  	s0 =	srdreg.scid  }
0x2: {  	s1 =	sshll.u32 s0, $0x4  }
0x3: {  	s0 =	stileid.u32;
	s1 =	sand.u32 $0x10, s1  }
0x4: {  	s1 =	sor.u32 s0, s1  }
0x5: {  	s6 =	rddreg [dreg:$0x0];
	s4 =	simm.s32 $0x1;
	s2 =	sshll.u32 s1, $0x7  }
0x6: {  	s7 =	simm.s32 $0x2;
	s12 =	simm.s32 $0x0;
	s1 =	ssub.s32 $0x4000, s2  }
0x7: {  	s8 =	simm.s32 $0x20000;
	s13 =	simm.s32 $0x0;
	s3 =	sand.u32 $0xF80, s1  }
0x8: {  	s9 =	simm.s32 $0x0;
	s5 =	sshrl.u32 s1, $0xC;
	p0 =	sne.s32 s3, $0x0  }
.Ltmp0:
0x9: {  	s1 =	rddreg [dreg:$0x2];
	s4 =	simm.s32 @!p0 $0x0;
	(pc) =	sbr.rel .LBB1_1-.Ltmp0, $4  }
0xa: {  	s11 =	simm.s32 $0x0;
	s3 =	rddreg [dreg:$0x1];
	s5 =	sadd.s32 s4, s5  }
0xb: {  	_ =	strace $0x8000004A;
	s4 =	simm.s32 $0x1;
	s5 =	smul.u32 $0x32, s5  }
0xc: {  	s6 =	sadd.s32 $0xA00, s6;
	s10 =	smov.u32 s2;
	[sflag:s4] =	ssyncpa.u1 $0x0  }
0xd: {  	p0 =	por $0x0, $0x0;
	[sflag:s7] =	ssyncpa.u1 $0x0;
	s7 =	sor.u32 $0x1, s5  }
.LBB1_4:
0xe: {  	s16 =	sshll.u32 s13, $0x3;
	s17 =	sand.u32 $0x78, s13  }
0xf: {  	s30 =	sand.u32 $0x1F800, s13;
	s12 =	sshll.u32 s12, $0x11;
	s16 =	sand.u32 $0x3C00, s16  }
0x10: {  	[tilespmem:s15+$0x810 ss:$0x81] =	vst.msk $0xffff, v2;
	s31 =	sand.u32 $0x7, s13;
	s16 =	sor.u32 s17, s16;
	s17 =	sadd.s32 s3, s30  }
0x11: {  	[tilespmem:s15+$0x1020 ss:$0x81] =	vst.msk $0xffff, v0;
	s13 =	sshll.u32 s31, $0x12;
	s12 =	sadd.s32 s12, s17;
	s16 =	sshrl.u32 s16, $0x3  }
0x12: {  	[tilespmem:s15+$0x0 ss:$0x81] =	vst.msk $0xffff, v1;
	s13 =	sor.u32 $0x400, s13;
	s12 =	sadd.s32 s16, s12  }
0x13: {  	[hbm4b:s12+s13] =	stream.strided.scatter [tilespmem:s14], [sflag:$0x2], $0x2000, s8, s13, $0x20;
	[tilespmem:$0x8080] =	vst v63  }
.LBB1_5:
0x14: {  	s14 =	sadd.s32 $0x1, s9  }
0x15: {  	s12 =	sadd.s32 $0x1000, s10;
	s16 =	smov.u32 s10;
	p2 =	sgt.s32 s14, $0x31  }
0x16: {  	s16 =	smov.u32 @p2 s12  }
0x17: {  	s14 =	simm.s32 @p2 $0x0;
	p2 =	sgt.s32 s16, $0x3FFF  }
0x18: {  	s16 =	smov.u32 @p2 s2;
	p2 =	sne.s32 s11, s7  }
.Ltmp1:
0x19: {  	p1 =	slt.u32 s11, $0x2;
	(pc) =	sbr.rel @!p2 .LBB1_6-.Ltmp1, $4  }
0x1a: {  	s15 =	simm.s32 @!p1 $0x2  }
0x1b: {  	s13 =	smov.u32 s10;
	p0 =	por !p0, !p0;
	_ =	swait.ge @!p1 [sflag:s15], $0x2000  }
0x1c: {  	s12 =	smov.u32 s9;
	[sflag:s15] =	ssyncset.done @!p1 $0x0;
	s9 =	smov.u32 s14  }
0x1d: {  	s11 =	sadd.s32 $0x1, s11;
	[sflag:s15] =	ssyncadd.s32 @!p1 $0xFFFFE000;
	s10 =	smov.u32 s16  }
.LBB1_1:
0x1e: {  	p1 =	sge.u32 s11, s5  }
0x1f: {  	s14 =	sand.u32 @!p1 $0x1FFFFFF, s9  }
0x20: {  	s15 =	smulhi.u32 @!p1 $0x4924925, s14;
	_ =	sdelay $0x1  }
0x21: {  	s15 =	smul.u32 @!p1 $0x38, s15  }
0x22: {  	s16 =	sxor.u32 @!p1 $0xFFFFFFFF, s11;
	s17 =	smul.u32 @!p1 $0x380, s10  }
0x23: {  	s31 =	sadd.s32 $0xFFFFFFFF, s11;
	s16 =	sshll.u32 @!p1 s16, $0xD;
	s14 =	ssub.s32 @!p1 s14, s15  }
0x24: {  	s15 =	sand.u32 @!p1 $0x2000, s16;
	s16 =	sadd.s32 @!p1 s6, s17;
	s14 =	sshll.u32 @!p1 s14, $0x4  }
0x25: {  	s17 =	simm.s32 @!p1 $0x1C00;
	s14 =	sadd.s32 @!p1 s14, s16;
	s16 =	simm.s32 @!p1 $0x40  }
0x26: {  	[tilespmem:s15], [sflag:$0x1] =	stream.strided.gather @!p1 [hbm4b:s14+s16], $0x2000, s17, s16, $0x38;
	[tilespmem:$0x8080] =	vst v63  }
0x27: {  	p1 =	sge.u32 s31, s5  }
.Ltmp2:
0x28: {  	_ = 	snop;
	(pc) =	sbr.rel @p1 .LBB1_5-.Ltmp2, $1  }
0x29: {  	_ =	sdelay $0x3  }
0x2a: {  	s14 =	simm.s32 $0x1  }
0x2b: {  	_ =	swait.ge [sflag:s4], $0x2000;
	s14 =	simm.s32 @!p0 $0x0  }
0x2c: {  	[sflag:s4] =	ssyncset.done $0x0;
	s15 =	sshll.u32 s14, $0xD  }
0x2d: {  	[sflag:s4] =	ssyncadd.s32 $0xFFFFE000;
	s18 =	sor.u32 $0x20, s15  }
0x2e: {  	s14 =	smul.u32 $0x8100, s14;
	v3 =	vld [tilespmem:s18+$0x10]  }
0x2f: {  	s30 =	sand.u32 $0x1, s11;
	v2 =	vld [tilespmem:s18+$0xFFFFFFF0]  }
0x30: {  	s15 =	smul.u32 $0x8100, s30;
	s14 =	sshrl.u32 s14, $0x2;
	v0 =	vld [tilespmem:s18+$0x0]  }
0x31: {  	v1 =	vld [tilespmem:s18+$0xFFFFFFE0];
	s16 =	sor.u32 $0x4000, s14  }
0x32: {  	s31 =	sshrl.u32 s15, $0x2;
	s15 =	sadd.s32 $0x0, s16  }
0x33: {  	s17 =	simm.s32 $0x4;
	s18 =	sadd.s32 $0x40, s18;
	s14 =	sor.u32 $0x4000, s31;
	[tilespmem:s15+$0x1830 ss:$0x81] =	vst.msk $0xffff, v3  }
.LBB1_3:
0x34: {  	v3 =	vld [tilespmem:s18+$0x10];
	p1 =	sne.s32 s17, $0x1FC;
	[tilespmem:s15+$0x810 ss:$0x81] =	vst.msk $0xffff, v2;
	s19 =	smov.u32 s17;
	s17 =	sadd.s32 $0x4, s17  }
.Ltmp3:
0x35: {  	v2 =	vld [tilespmem:s18+$0xFFFFFFF0];
	[tilespmem:s15+$0x1020 ss:$0x81] =	vst.msk $0xffff, v0;
	(pc) =	sbr.rel @p1 .LBB1_3-.Ltmp3, $4  }
0x36: {  	v0 =	vld [tilespmem:s18+$0x0];
	[tilespmem:s15+$0x0 ss:$0x81] =	vst.msk $0xffff, v1  }
0x37: {  	s15 =	sshra.s32 s19, $0x2;
	v1 =	vld [tilespmem:s18+$0xFFFFFFE0]  }
0x38: {  	s15 =	sadd.s32 s15, s16  }
0x39: {  	s18 =	sadd.s32 $0x40, s18;
	[tilespmem:s15+$0x1830 ss:$0x81] =	vst.msk $0xffff, v3  }
.Ltmp4:
0x3a: {  	_ = 	snop;
	(pc) =	sbr.rel .LBB1_4-.Ltmp4, $1  }
0x3b: {  	_ =	sdelay $0x3  }
.LBB1_6:
0x3c: {  	_ =	sfence.sel $0x180000  }
0x3d: {  	s2 =	simm.s32 $0x1;
	[bflag:$0x0] =	sbarrier.arrive $0xFFFF  }
0x3e: {  	s31 =	simm.s32 $0x2;
	[sflag:s2] =	ssyncpa.u1 $0x1  }
0x3f: {  	[sflag:s31] =	ssyncpa.u1 $0x1  }
0x40: {  	p0 =	sne.s32 s0, $0x0;
	_ =	strace $0x9000004A  }
0x41: {  	s0 =	sadd.s32 @!p0 $0x100000, s1;
	[bflag:$0x2] =	sbarrier.arrive $0xFFFF  }
0x42: {  	[sflag:s0] =	ssyncadd.tile.s32 @!p0 $0x1;
	_ =	shalt  }
.Lfunc_end1:
_tile_overlayer_lowered:
.L_overlay_start_2:
0x43: {  	(tag) =	ssettag $0x2  }
0x44: {  	s0 =	rddreg [dreg:$0x0];
	s2 =	stileid.u32  }
0x45: {  	s1 =	rddreg [dreg:$0x1];
	p0 =	sne.s32 s2, $0x0  }
0x46: {  	s3 =	rddreg [dreg:$0x2];
	[bflag:$0x3] =	sbarrier.arrive $0xFFFF;
	s2 =	simm.s32 @!p0 $0x1C01  }
0x47: {  	[timem:s3], [sflag:s2] =	dma.local @!p0 [hbm:s0], s1  }
0x48: {  	s0 =	simm.s32 @!p0 $0x1  }
0x49: {  	_ =	swait.ge @!p0 [sflag:s0], s1  }
0x4a: {  	s1 =	ssub.s32 @!p0 $0x0, s1;
	[sflag:s0] =	ssyncset.done @!p0 $0x0  }
0x4b: {  	[sflag:s0] =	ssyncadd.s32 @!p0 s1  }
0x4c: {  	[bflag:$0x3] =	sbarrier.arrive $0xFFFF  }
0x4d: {  	_ =	shalt  }

</sc_bundles>
